<compile_context>
chip_gen: v7x
topology: tpu7x:2x2x1
jax: 0.10.2.dev20260603
libtpu: 0.0.44.dev20260713+nightly
codegen_flags: <defaults>
</compile_context>

<pallas_src>
import functools

import jax
import jax.numpy as jnp
from jax import lax
from jax.experimental import pallas as pl
from jax.experimental.pallas import tpu as pltpu, tpu_sc as plsc

N = 10000
E = 320000
C_IN = 128
H = 128
C_OUT = 128

BLK = 2000

NC, NS = 2, 16
NW = NC * NS
K = 128
G = E // K
GPW = G // NW
GEXTRA = G - GPW * NW
NPAD = 10112
RPT = NPAD // NS


def _pre_body(x_ref, w1_ref, b1_ref, w2_ref, b2_ref, wc_ref, bc_ref,
              h_ref, msg_ref):
    f32 = jnp.float32
    h1 = jnp.maximum(
        jnp.dot(x_ref[...], w1_ref[...], preferred_element_type=f32)
        + b1_ref[...], 0.0)
    h = jnp.dot(h1, w2_ref[...], preferred_element_type=f32) + b2_ref[...]
    h_ref[...] = h
    msg_ref[...] = jnp.maximum(
        jnp.dot(h, wc_ref[...], preferred_element_type=f32) + bc_ref[...], 0.0)


def _pre(x, W1, b1, W2, b2, Wc, bc):
    full = lambda shape: pl.BlockSpec(shape, lambda i: (0, 0))
    row = lambda shape: pl.BlockSpec(shape, lambda i: (i, 0))
    return pl.pallas_call(
        _pre_body,
        grid=(N // BLK,),
        in_specs=[row((BLK, C_IN)), full((C_IN, H)), full((1, H)),
                  full((H, H)), full((1, H)), full((H, H)), full((1, H))],
        out_specs=[row((BLK, H)), row((BLK, H))],
        out_shape=[jax.ShapeDtypeStruct((N, H), jnp.float32),
                   jax.ShapeDtypeStruct((N, H), jnp.float32)],
        compiler_params=pltpu.CompilerParams(
            dimension_semantics=("parallel",)),
    )(x, W1, b1, W2, b2, Wc, bc)


def _post_body(h_ref, a0_ref, a1_ref, w3a_ref, w3b_ref, b3_ref,
               w4_ref, b4_ref, o_ref):
    f32 = jnp.float32
    agg = a0_ref[0] + a1_ref[0]
    t = (jnp.dot(h_ref[...], w3a_ref[...], preferred_element_type=f32)
         + jnp.dot(agg, w3b_ref[...], preferred_element_type=f32)
         + b3_ref[...])
    t = jnp.maximum(t, 0.0)
    o_ref[...] = jnp.tanh(
        jnp.dot(t, w4_ref[...], preferred_element_type=f32) + b4_ref[...])


def _post(h, agg2, W3a, W3b, b3, W4, b4):
    full = lambda shape: pl.BlockSpec(shape, lambda i: (0, 0))
    row = lambda shape: pl.BlockSpec(shape, lambda i: (i, 0))
    return pl.pallas_call(
        _post_body,
        grid=(N // BLK,),
        in_specs=[row((BLK, H)),
                  pl.BlockSpec((1, BLK, H), lambda i: (0, i, 0)),
                  pl.BlockSpec((1, BLK, H), lambda i: (1, i, 0)),
                  full((H, H)), full((H, H)), full((1, H)),
                  full((H, C_OUT)), full((1, C_OUT))],
        out_specs=row((BLK, C_OUT)),
        out_shape=jax.ShapeDtypeStruct((N, C_OUT), jnp.float32),
        compiler_params=pltpu.CompilerParams(
            dimension_semantics=("parallel",)),
    )(h, agg2, agg2, W3a, W3b, b3, W4, b4)


def _sc_body(msg_hbm, edge_hbm, out_hbm,
             idx_b, rows_v, agg_sp,
             sem_i0, sem_i1, sem_g0, sem_g1):
    cid = lax.axis_index("c")
    sid = lax.axis_index("s")
    wid = cid * NS + sid
    sem_i = (sem_i0, sem_i1)
    sem_g = (sem_g0, sem_g1)

    zeros16 = jnp.zeros((16,), jnp.float32)

    def zrow(i, carry):
        def zcol(j, c2):
            rows_v[0, i, pl.ds(j * 16, 16)] = zeros16
            return c2
        return lax.fori_loop(0, H // 16, zcol, carry)

    lax.fori_loop(0, K, zrow, 0)

    def zcopy(i, carry):
        pltpu.sync_copy(rows_v.at[0, pl.ds(0, K)],
                        agg_sp.at[pl.ds(sid * RPT + i * K, K)])
        return carry

    lax.fori_loop(0, RPT // K, zcopy, 0)
    pltpu.sync_copy(rows_v.at[0, pl.ds(0, RPT - (RPT // K) * K)],
                    agg_sp.at[pl.ds(sid * RPT + (RPT // K) * K,
                                    RPT - (RPT // K) * K)])

    gbase = wid * GPW

    def idx_start(g, s):
        pltpu.async_copy(edge_hbm.at[:, pl.ds(g * K, K)], idx_b.at[s],
                         sem_i[s])

    def idx_wait(s):
        pltpu.make_async_copy(edge_hbm.at[:, pl.ds(0, K)], idx_b.at[s],
                              sem_i[s]).wait()

    def gather_start(s):
        pltpu.async_copy(msg_hbm.at[idx_b.at[s, 0]], rows_v.at[s],
                         sem_g[s])

    def gather_wait(s):
        pltpu.make_async_copy(msg_hbm.at[idx_b.at[s, 0]], rows_v.at[s],
                              sem_g[s]).wait()

    def scatter(s):
        pltpu.sync_copy(rows_v.at[s], agg_sp.at[idx_b.at[s, 1]], add=True)

    idx_start(gbase, 0)
    idx_start(gbase + 1, 1)
    plsc.subcore_barrier()
    idx_wait(0)
    gather_start(0)

    def step(c, s):
        nx = 1 - s
        idx_wait(nx)
        gather_start(nx)
        gather_wait(s)
        scatter(s)
        idx_start(gbase + jnp.minimum(c + 2, GPW - 1), s)

    def pair(cc, carry):
        step(2 * cc, 0)
        step(2 * cc + 1, 1)
        return carry

    lax.fori_loop(0, (GPW - 2) // 2, pair, 0)

    idx_wait(1)
    gather_start(1)
    gather_wait(0)
    scatter(0)
    gather_wait(1)
    scatter(1)

    @pl.when(sid < GEXTRA // NC)
    def _():
        idx_start(NW * GPW + cid * (GEXTRA // NC) + sid, 0)
        idx_wait(0)
        gather_start(0)
        gather_wait(0)
        scatter(0)

    plsc.subcore_barrier()

    pltpu.sync_copy(agg_sp.at[pl.ds(sid * RPT, RPT)],
                    out_hbm.at[cid, pl.ds(sid * RPT, RPT)])


_sc_scatter = functools.partial(
    pl.kernel,
    out_type=jax.ShapeDtypeStruct((NC, NPAD, H), jnp.float32),
    mesh=plsc.VectorSubcoreMesh(core_axis_name="c", subcore_axis_name="s"),
    scratch_types=[
        pltpu.VMEM((2, 2, K), jnp.int32),
        pltpu.VMEM((2, K, H), jnp.float32),
        pltpu.VMEM_SHARED((NPAD, H), jnp.float32),
        pltpu.SemaphoreType.DMA,
        pltpu.SemaphoreType.DMA,
        pltpu.SemaphoreType.DMA,
        pltpu.SemaphoreType.DMA,
    ],
)(_sc_body)


def kernel(x, edge_index, W1, b1, W2, b2, Wc, bc, W3, b3, W4, b4):
    b1r, b2r, bcr = b1.reshape(1, H), b2.reshape(1, H), bc.reshape(1, H)
    b3r, b4r = b3.reshape(1, H), b4.reshape(1, C_OUT)
    h, msg = _pre(x, W1, b1r, W2, b2r, Wc, bcr)
    agg2 = _sc_scatter(msg, edge_index)
    return _post(h, agg2, W3[:H], W3[H:], b3r, W4, b4r)

# --- scband reference (transcript-rebuilt; emitter-appended) ---
"""Pipeline reference for scband-gncamodel-10995116278155 (READ-ONLY COPY).

The authoritative reference and input builder live on the scoring server;
editing this copy changes nothing except your own understanding.
"""

import jax, jax.numpy as jnp
import numpy as np

N = 10000
E = 320000
C_IN = 128
C_OUT = 128
H = 128


def _init_linear(key, fan_in, fan_out):
    kw, kb = jax.random.split(key)
    bound = 1.0 / np.sqrt(fan_in)
    W = jax.random.uniform(kw, (fan_in, fan_out), dtype=jnp.float32, minval=-bound, maxval=bound)
    b = jax.random.uniform(kb, (fan_out,), dtype=jnp.float32, minval=-bound, maxval=bound)
    return W, b


def setup_inputs(seed: int = 0) -> dict:
    key = jax.random.key(seed)
    ks = jax.random.split(key, 8)
    x = jax.random.normal(ks[0], (N, C_IN), dtype=jnp.float32)
    edge_index = jax.random.randint(ks[1], (2, E), 0, N, dtype=jnp.int32)
    W1, b1 = _init_linear(ks[2], C_IN, H)      # mlp_pre layer 1
    W2, b2 = _init_linear(ks[3], H, H)         # mlp_pre layer 2
    Wc, bc = _init_linear(ks[4], H, H)         # GNCAConv message transform
    W3, b3 = _init_linear(ks[5], 2 * H, H)     # mlp_post layer 1
    W4, b4 = _init_linear(ks[6], H, C_OUT)     # mlp_post layer 2
    return {
        "x": x, "edge_index": edge_index,
        "W1": W1, "b1": b1, "W2": W2, "b2": b2,
        "Wc": Wc, "bc": bc,
        "W3": W3, "b3": b3, "W4": W4, "b4": b4,
    }


def reference(x, edge_index, W1, b1, W2, b2, Wc, bc, W3, b3, W4, b4):
    # 1. Pre-processing MLP: Linear -> ReLU -> Linear
    h = jax.nn.relu(x @ W1 + b1)
    h = h @ W2 + b2
    # 2. Message passing: h_i || sum_{j in N(i)} ReLU(W h_j + b)
    src = edge_index[0]
    dst = edge_index[1]
    msg_all = jax.nn.relu(h @ Wc + bc)          # transform all nodes
    msgs = jnp.take(msg_all, src, axis=0)        # gather messages from sources
    agg = jnp.zeros_like(h).at[dst].add(msgs)    # scatter-add to destinations
    hcat = jnp.concatenate([h, agg], axis=-1)
    # 3. Post-processing MLP: Linear -> ReLU -> Linear
    out = jax.nn.relu(hcat @ W3 + b3)
    out = out @ W4 + b4
    # output_activation = 'tanh'
    return jnp.tanh(out)

if __name__ == "__main__":
    import jax
    _d = setup_inputs()
    print(jax.jit(kernel)(*tuple(_d.values())))

</pallas_src>

<mosaic_0001>
#map = affine_map<(d0, d1) -> (0, 0)>
#map1 = affine_map<(d0, d1) -> (0, 0, 0)>
module attributes {stable_mosaic.version = 14 : i64} {
  func.func @_sc_body(%arg0: i32, %arg1: i32, %arg2: memref<10000x128xf32, #tpu.memory_space<hbm>>, %arg3: memref<2x320000xi32, #tpu.memory_space<hbm>>, %arg4: memref<2x10112x128xf32, #tpu.memory_space<hbm>>, %arg5: memref<2x2x128xi32, #tpu.memory_space<vmem>>, %arg6: memref<2x128x128xf32, #tpu.memory_space<vmem>>, %arg7: memref<10112x128xf32, #tpu.memory_space<vmem_shared>>, %arg8: memref<!tpu.dma_semaphore, #tpu.memory_space<semaphore_mem>>, %arg9: memref<!tpu.dma_semaphore, #tpu.memory_space<semaphore_mem>>, %arg10: memref<!tpu.dma_semaphore, #tpu.memory_space<semaphore_mem>>, %arg11: memref<!tpu.dma_semaphore, #tpu.memory_space<semaphore_mem>>) attributes {dimension_semantics = [#tpu.dimension_semantics<core_parallel>, #tpu.dimension_semantics<subcore_parallel>], iteration_bounds = array<i64: 2, 16>, scalar_prefetch = 0 : i64, scratch_operands = 7 : i64, tpu.core_type = #tpu.core_type<sc_vector_subcore>, window_params = [{transform_indices = #map}, {transform_indices = #map}, {transform_indices = #map1}]} {
    %mul3A = arith.constant 16 : i32
    %mul3A_0 = arith.muli %arg0, %mul3A : i32
    %add3A = arith.addi %mul3A_0, %arg1 : i32
    %broadcast_in_dim3A = arith.constant 0.000000e+00 : f32
    %broadcast_in_dim3A_1 = vector.broadcast %broadcast_in_dim3A : f32 to vector<16xf32>
    %scan3A = arith.constant 0 : i32
    %scan3A_2 = arith.constant 0 : i32
    %scan3A_3 = arith.constant 128 : i32
    %scan3A_4 = arith.addi %scan3A_2, %scan3A_3 : i32
    %scan3A_5 = arith.constant 1 : i32
    scf.for %scan3A_150 = %scan3A_2 to %scan3A_4 step %scan3A_5  : i32 {
      %scan3A_151 = arith.constant 0 : i32
      %scan3A_152 = arith.constant 8 : i32
      %scan3A_153 = arith.addi %scan3A_151, %scan3A_152 : i32
      %scan3A_154 = arith.constant 1 : i32
      scf.for %scan3A_156 = %scan3A_151 to %scan3A_153 step %scan3A_154  : i32 {
        %mul3A_157 = arith.constant 16 : i32
        %mul3A_158 = arith.muli %scan3A_156, %mul3A_157 : i32
        %swap3A = arith.constant 0 : i32
        %swap3A_159 = arith.index_cast %swap3A : i32 to index
        %swap3A_160 = arith.index_cast %scan3A_150 : i32 to index
        %swap3A_161 = arith.index_cast %mul3A_158 : i32 to index
        %swap3A_162 = tpu.vector_load %arg6[%swap3A_159, %swap3A_160, %swap3A_161] {strides = array<i32>} : memref<2x128x128xf32, #tpu.memory_space<vmem>>, vector<1x1x16xf32>,
        %swap3A_163 = vector.shape_cast %swap3A_162 : vector<1x1x16xf32> to vector<16xf32>
        %swap3A_164 = vector.shape_cast %broadcast_in_dim3A_1 : vector<16xf32> to vector<1x1x16xf32>
        tpu.vector_store %arg6[%swap3A_159, %swap3A_160, %swap3A_161], %swap3A_164 {strides = array<i32>} : memref<2x128x128xf32, #tpu.memory_space<vmem>>, vector<1x1x16xf32>,
      }
      %scan3A_155 = arith.constant 8 : i32
    }
    %scan3A_6 = arith.constant 128 : i32
    %scan3A_7 = arith.constant 0 : i32
    %scan3A_8 = arith.constant 0 : i32
    %scan3A_9 = arith.constant 4 : i32
    %scan3A_10 = arith.addi %scan3A_8, %scan3A_9 : i32
    %scan3A_11 = arith.constant 1 : i32
    scf.for %scan3A_150 = %scan3A_8 to %scan3A_10 step %scan3A_11  : i32 {
      %mul3A_151 = arith.constant 632 : i32
      %mul3A_152 = arith.muli %arg1, %mul3A_151 : i32
      %mul3A_153 = arith.constant 128 : i32
      %mul3A_154 = arith.muli %scan3A_150, %mul3A_153 : i32
      %add3A_155 = arith.addi %mul3A_152, %mul3A_154 : i32
      %run_scoped3A_156 = arith.constant 0 : i32
      "tpu.region"() ({
        %run_scoped3A_157 = tpu.sem_alloc : memref<!tpu.dma_semaphore, #tpu.memory_space<semaphore_mem>>
        %dma_start3A_158 = arith.constant 0 : i32
        %dma_start3A_159 = arith.constant 0 : i32
        %dma_start3A_160 = tpu.memref_slice %arg6[%run_scoped3A_156, %dma_start3A_158, %dma_start3A_159] : memref<2x128x128xf32, #tpu.memory_space<vmem>> -> memref<1x128x128xf32, #tpu.memory_space<vmem>>
        %dma_start3A_161 = tpu.memref_squeeze %dma_start3A_160 : memref<1x128x128xf32, #tpu.memory_space<vmem>> -> memref<128x128xf32, #tpu.memory_space<vmem>>
        %dma_start3A_162 = arith.constant 0 : i32
        %dma_start3A_163 = tpu.memref_slice %arg7[%add3A_155, %dma_start3A_162] : memref<10112x128xf32, #tpu.memory_space<vmem_shared>> -> memref<128x128xf32, #tpu.memory_space<vmem_shared>>
        %dma_start3A_164 = arith.constant 0 : i32
        %dma_start3A_165 = tpu.memref_slice %arg7[%add3A_155, %dma_start3A_164] : memref<10112x128xf32, #tpu.memory_space<vmem_shared>> -> memref<128x128xf32, #tpu.memory_space<vmem_shared>>
        %dma_start3A_166 = arith.constant 0 : i32
        %dma_start3A_167 = arith.constant 0 : i32
        %dma_start3A_168 = tpu.memref_slice %arg6[%run_scoped3A_156, %dma_start3A_166, %dma_start3A_167] : memref<2x128x128xf32, #tpu.memory_space<vmem>> -> memref<1x128x128xf32, #tpu.memory_space<vmem>>
        %dma_start3A_169 = tpu.memref_squeeze %dma_start3A_168 : memref<1x128x128xf32, #tpu.memory_space<vmem>> -> memref<128x128xf32, #tpu.memory_space<vmem>>
        tpu.enqueue_dma source(%dma_start3A_169 : memref<128x128xf32, #tpu.memory_space<vmem>>) target(%dma_start3A_165 : memref<128x128xf32, #tpu.memory_space<vmem_shared>>) target_semaphore(%run_scoped3A_157 : memref<!tpu.dma_semaphore, #tpu.memory_space<semaphore_mem>>)
        %dma_wait3A_170 = arith.constant 0 : i32
        %dma_wait3A_171 = arith.constant 0 : i32
        %dma_wait3A_172 = tpu.memref_slice %arg6[%run_scoped3A_156, %dma_wait3A_170, %dma_wait3A_171] : memref<2x128x128xf32, #tpu.memory_space<vmem>> -> memref<1x128x128xf32, #tpu.memory_space<vmem>>
        %dma_wait3A_173 = tpu.memref_squeeze %dma_wait3A_172 : memref<1x128x128xf32, #tpu.memory_space<vmem>> -> memref<128x128xf32, #tpu.memory_space<vmem>>
        %dma_wait3A_174 = arith.constant 0 : i32
        %dma_wait3A_175 = tpu.memref_slice %arg7[%add3A_155, %dma_wait3A_174] : memref<10112x128xf32, #tpu.memory_space<vmem_shared>> -> memref<128x128xf32, #tpu.memory_space<vmem_shared>>
        %dma_wait3A_176 = arith.constant 0 : i32
        %dma_wait3A_177 = tpu.memref_slice %arg7[%add3A_155, %dma_wait3A_176] : memref<10112x128xf32, #tpu.memory_space<vmem_shared>> -> memref<128x128xf32, #tpu.memory_space<vmem_shared>>
        %dma_wait3A_178 = arith.constant 0 : i32
        %dma_wait3A_179 = arith.constant 0 : i32
        %dma_wait3A_180 = tpu.memref_slice %arg6[%run_scoped3A_156, %dma_wait3A_178, %dma_wait3A_179] : memref<2x128x128xf32, #tpu.memory_space<vmem>> -> memref<1x128x128xf32, #tpu.memory_space<vmem>>
        %dma_wait3A_181 = tpu.memref_squeeze %dma_wait3A_180 : memref<1x128x128xf32, #tpu.memory_space<vmem>> -> memref<128x128xf32, #tpu.memory_space<vmem>>
        tpu.wait_dma2 semaphore(%run_scoped3A_157 : memref<!tpu.dma_semaphore, #tpu.memory_space<semaphore_mem>>) src(%dma_wait3A_181 : memref<128x128xf32, #tpu.memory_space<vmem>>) dst(%dma_wait3A_177 : memref<128x128xf32, #tpu.memory_space<vmem_shared>>)
        tpu.yield
      }) : () -> ()
    }
    %scan3A_12 = arith.constant 4 : i32
    %mul3A_13 = arith.constant 632 : i32
    %mul3A_14 = arith.muli %arg1, %mul3A_13 : i32
    %add3A_15 = arith.constant 512 : i32
    %add3A_16 = arith.addi %mul3A_14, %add3A_15 : i32
    %run_scoped3A = arith.constant 0 : i32
    "tpu.region"() ({
      %run_scoped3A_150 = tpu.sem_alloc : memref<!tpu.dma_semaphore, #tpu.memory_space<semaphore_mem>>
      %dma_start3A_151 = arith.constant 0 : i32
      %dma_start3A_152 = arith.constant 0 : i32
      %dma_start3A_153 = tpu.memref_slice %arg6[%run_scoped3A, %dma_start3A_151, %dma_start3A_152] : memref<2x128x128xf32, #tpu.memory_space<vmem>> -> memref<1x120x128xf32, #tpu.memory_space<vmem>>
      %dma_start3A_154 = tpu.memref_squeeze %dma_start3A_153 : memref<1x120x128xf32, #tpu.memory_space<vmem>> -> memref<120x128xf32, #tpu.memory_space<vmem>>
      %dma_start3A_155 = arith.constant 0 : i32
      %dma_start3A_156 = tpu.memref_slice %arg7[%add3A_16, %dma_start3A_155] : memref<10112x128xf32, #tpu.memory_space<vmem_shared>> -> memref<120x128xf32, #tpu.memory_space<vmem_shared>>
      %dma_start3A_157 = arith.constant 0 : i32
      %dma_start3A_158 = tpu.memref_slice %arg7[%add3A_16, %dma_start3A_157] : memref<10112x128xf32, #tpu.memory_space<vmem_shared>> -> memref<120x128xf32, #tpu.memory_space<vmem_shared>>
      %dma_start3A_159 = arith.constant 0 : i32
      %dma_start3A_160 = arith.constant 0 : i32
      %dma_start3A_161 = tpu.memref_slice %arg6[%run_scoped3A, %dma_start3A_159, %dma_start3A_160] : memref<2x128x128xf32, #tpu.memory_space<vmem>> -> memref<1x120x128xf32, #tpu.memory_space<vmem>>
      %dma_start3A_162 = tpu.memref_squeeze %dma_start3A_161 : memref<1x120x128xf32, #tpu.memory_space<vmem>> -> memref<120x128xf32, #tpu.memory_space<vmem>>
      tpu.enqueue_dma source(%dma_start3A_162 : memref<120x128xf32, #tpu.memory_space<vmem>>) target(%dma_start3A_158 : memref<120x128xf32, #tpu.memory_space<vmem_shared>>) target_semaphore(%run_scoped3A_150 : memref<!tpu.dma_semaphore, #tpu.memory_space<semaphore_mem>>)
      %dma_wait3A_163 = arith.constant 0 : i32
      %dma_wait3A_164 = arith.constant 0 : i32
      %dma_wait3A_165 = tpu.memref_slice %arg6[%run_scoped3A, %dma_wait3A_163, %dma_wait3A_164] : memref<2x128x128xf32, #tpu.memory_space<vmem>> -> memref<1x120x128xf32, #tpu.memory_space<vmem>>
      %dma_wait3A_166 = tpu.memref_squeeze %dma_wait3A_165 : memref<1x120x128xf32, #tpu.memory_space<vmem>> -> memref<120x128xf32, #tpu.memory_space<vmem>>
      %dma_wait3A_167 = arith.constant 0 : i32
      %dma_wait3A_168 = tpu.memref_slice %arg7[%add3A_16, %dma_wait3A_167] : memref<10112x128xf32, #tpu.memory_space<vmem_shared>> -> memref<120x128xf32, #tpu.memory_space<vmem_shared>>
      %dma_wait3A_169 = arith.constant 0 : i32
      %dma_wait3A_170 = tpu.memref_slice %arg7[%add3A_16, %dma_wait3A_169] : memref<10112x128xf32, #tpu.memory_space<vmem_shared>> -> memref<120x128xf32, #tpu.memory_space<vmem_shared>>
      %dma_wait3A_171 = arith.constant 0 : i32
      %dma_wait3A_172 = arith.constant 0 : i32
      %dma_wait3A_173 = tpu.memref_slice %arg6[%run_scoped3A, %dma_wait3A_171, %dma_wait3A_172] : memref<2x128x128xf32, #tpu.memory_space<vmem>> -> memref<1x120x128xf32, #tpu.memory_space<vmem>>
      %dma_wait3A_174 = tpu.memref_squeeze %dma_wait3A_173 : memref<1x120x128xf32, #tpu.memory_space<vmem>> -> memref<120x128xf32, #tpu.memory_space<vmem>>
      tpu.wait_dma2 semaphore(%run_scoped3A_150 : memref<!tpu.dma_semaphore, #tpu.memory_space<semaphore_mem>>) src(%dma_wait3A_174 : memref<120x128xf32, #tpu.memory_space<vmem>>) dst(%dma_wait3A_170 : memref<120x128xf32, #tpu.memory_space<vmem_shared>>)
      tpu.yield
    }) : () -> ()
    %mul3A_17 = arith.constant 78 : i32
    %mul3A_18 = arith.muli %add3A, %mul3A_17 : i32
    %mul3A_19 = arith.constant 128 : i32
    %mul3A_20 = arith.muli %mul3A_18, %mul3A_19 : i32
    %dma_start3A = arith.constant 0 : i32
    %dma_start3A_21 = arith.constant 0 : i32
    %dma_start3A_22 = arith.constant 0 : i32
    %dma_start3A_23 = tpu.memref_slice %arg5[%dma_start3A, %dma_start3A_21, %dma_start3A_22] : memref<2x2x128xi32, #tpu.memory_space<vmem>> -> memref<1x2x128xi32, #tpu.memory_space<vmem>>
    %dma_start3A_24 = tpu.memref_squeeze %dma_start3A_23 : memref<1x2x128xi32, #tpu.memory_space<vmem>> -> memref<2x128xi32, #tpu.memory_space<vmem>>
    %dma_start3A_25 = arith.constant 0 : i32
    %dma_start3A_26 = tpu.memref_slice %arg3[%dma_start3A_25, %mul3A_20] : memref<2x320000xi32, #tpu.memory_space<hbm>> -> memref<2x128xi32, #tpu.memory_space<hbm>>
    %dma_start3A_27 = arith.constant 0 : i32
    %dma_start3A_28 = arith.constant 0 : i32
    %dma_start3A_29 = tpu.memref_slice %arg5[%dma_start3A, %dma_start3A_27, %dma_start3A_28] : memref<2x2x128xi32, #tpu.memory_space<vmem>> -> memref<1x2x128xi32, #tpu.memory_space<vmem>>
    %dma_start3A_30 = tpu.memref_squeeze %dma_start3A_29 : memref<1x2x128xi32, #tpu.memory_space<vmem>> -> memref<2x128xi32, #tpu.memory_space<vmem>>
    %dma_start3A_31 = arith.constant 0 : i32
    %dma_start3A_32 = tpu.memref_slice %arg3[%dma_start3A_31, %mul3A_20] : memref<2x320000xi32, #tpu.memory_space<hbm>> -> memref<2x128xi32, #tpu.memory_space<hbm>>
    tpu.enqueue_dma source(%dma_start3A_32 : memref<2x128xi32, #tpu.memory_space<hbm>>) target(%dma_start3A_30 : memref<2x128xi32, #tpu.memory_space<vmem>>) target_semaphore(%arg8 : memref<!tpu.dma_semaphore, #tpu.memory_space<semaphore_mem>>)
    %add3A_33 = arith.constant 1 : i32
    %add3A_34 = arith.addi %mul3A_18, %add3A_33 : i32
    %mul3A_35 = arith.constant 128 : i32
    %mul3A_36 = arith.muli %add3A_34, %mul3A_35 : i32
    %dma_start3A_37 = arith.constant 1 : i32
    %dma_start3A_38 = arith.constant 0 : i32
    %dma_start3A_39 = arith.constant 0 : i32
    %dma_start3A_40 = tpu.memref_slice %arg5[%dma_start3A_37, %dma_start3A_38, %dma_start3A_39] : memref<2x2x128xi32, #tpu.memory_space<vmem>> -> memref<1x2x128xi32, #tpu.memory_space<vmem>>
    %dma_start3A_41 = tpu.memref_squeeze %dma_start3A_40 : memref<1x2x128xi32, #tpu.memory_space<vmem>> -> memref<2x128xi32, #tpu.memory_space<vmem>>
    %dma_start3A_42 = arith.constant 0 : i32
    %dma_start3A_43 = tpu.memref_slice %arg3[%dma_start3A_42, %mul3A_36] : memref<2x320000xi32, #tpu.memory_space<hbm>> -> memref<2x128xi32, #tpu.memory_space<hbm>>
    %dma_start3A_44 = arith.constant 0 : i32
    %dma_start3A_45 = arith.constant 0 : i32
    %dma_start3A_46 = tpu.memref_slice %arg5[%dma_start3A_37, %dma_start3A_44, %dma_start3A_45] : memref<2x2x128xi32, #tpu.memory_space<vmem>> -> memref<1x2x128xi32, #tpu.memory_space<vmem>>
    %dma_start3A_47 = tpu.memref_squeeze %dma_start3A_46 : memref<1x2x128xi32, #tpu.memory_space<vmem>> -> memref<2x128xi32, #tpu.memory_space<vmem>>
    %dma_start3A_48 = arith.constant 0 : i32
    %dma_start3A_49 = tpu.memref_slice %arg3[%dma_start3A_48, %mul3A_36] : memref<2x320000xi32, #tpu.memory_space<hbm>> -> memref<2x128xi32, #tpu.memory_space<hbm>>
    tpu.enqueue_dma source(%dma_start3A_49 : memref<2x128xi32, #tpu.memory_space<hbm>>) target(%dma_start3A_47 : memref<2x128xi32, #tpu.memory_space<vmem>>) target_semaphore(%arg9 : memref<!tpu.dma_semaphore, #tpu.memory_space<semaphore_mem>>)
    %barrier3A = arith.constant 0 : index
    tpu.barrier barrier_id(%barrier3A)
    %dma_wait3A = arith.constant 0 : i32
    %dma_wait3A_50 = arith.constant 0 : i32
    %dma_wait3A_51 = arith.constant 0 : i32
    %dma_wait3A_52 = tpu.memref_slice %arg5[%dma_wait3A, %dma_wait3A_50, %dma_wait3A_51] : memref<2x2x128xi32, #tpu.memory_space<vmem>> -> memref<1x2x128xi32, #tpu.memory_space<vmem>>
    %dma_wait3A_53 = tpu.memref_squeeze %dma_wait3A_52 : memref<1x2x128xi32, #tpu.memory_space<vmem>> -> memref<2x128xi32, #tpu.memory_space<vmem>>
    %dma_wait3A_54 = arith.constant 0 : i32
    %dma_wait3A_55 = arith.constant 0 : i32
    %dma_wait3A_56 = tpu.memref_slice %arg3[%dma_wait3A_54, %dma_wait3A_55] : memref<2x320000xi32, #tpu.memory_space<hbm>> -> memref<2x128xi32, #tpu.memory_space<hbm>>
    %dma_wait3A_57 = arith.constant 0 : i32
    %dma_wait3A_58 = arith.constant 0 : i32
    %dma_wait3A_59 = tpu.memref_slice %arg5[%dma_wait3A, %dma_wait3A_57, %dma_wait3A_58] : memref<2x2x128xi32, #tpu.memory_space<vmem>> -> memref<1x2x128xi32, #tpu.memory_space<vmem>>
    %dma_wait3A_60 = tpu.memref_squeeze %dma_wait3A_59 : memref<1x2x128xi32, #tpu.memory_space<vmem>> -> memref<2x128xi32, #tpu.memory_space<vmem>>
    %dma_wait3A_61 = arith.constant 0 : i32
    %dma_wait3A_62 = arith.constant 0 : i32
    %dma_wait3A_63 = tpu.memref_slice %arg3[%dma_wait3A_61, %dma_wait3A_62] : memref<2x320000xi32, #tpu.memory_space<hbm>> -> memref<2x128xi32, #tpu.memory_space<hbm>>
    tpu.wait_dma2 semaphore(%arg8 : memref<!tpu.dma_semaphore, #tpu.memory_space<semaphore_mem>>) src(%dma_wait3A_63 : memref<2x128xi32, #tpu.memory_space<hbm>>) dst(%dma_wait3A_60 : memref<2x128xi32, #tpu.memory_space<vmem>>)
    %dma_start3A_64 = arith.constant 0 : i32
    %dma_start3A_65 = arith.constant 0 : i32
    %dma_start3A_66 = arith.constant 0 : i32
    %dma_start3A_67 = arith.constant 0 : i32
    %dma_start3A_68 = arith.constant 0 : i32
    %dma_start3A_69 = tpu.memref_slice %arg6[%dma_start3A_66, %dma_start3A_67, %dma_start3A_68] : memref<2x128x128xf32, #tpu.memory_space<vmem>> -> memref<1x128x128xf32, #tpu.memory_space<vmem>>
    %dma_start3A_70 = tpu.memref_squeeze %dma_start3A_69 : memref<1x128x128xf32, #tpu.memory_space<vmem>> -> memref<128x128xf32, #tpu.memory_space<vmem>>
    %dma_start3A_71 = arith.constant 0 : i32
    %dma_start3A_72 = tpu.memref_slice %arg5[%dma_start3A_64, %dma_start3A_65, %dma_start3A_71] : memref<2x2x128xi32, #tpu.memory_space<vmem>> -> memref<1x1x128xi32, #tpu.memory_space<vmem>>
    %dma_start3A_73 = tpu.memref_squeeze %dma_start3A_72 : memref<1x1x128xi32, #tpu.memory_space<vmem>> -> memref<128xi32, #tpu.memory_space<vmem>>
    %dma_start3A_74 = arith.constant 0 : i32
    %dma_start3A_75 = arith.constant 0 : i32
    %dma_start3A_76 = tpu.memref_slice %arg2[%dma_start3A_74, %dma_start3A_75] : memref<10000x128xf32, #tpu.memory_space<hbm>> -> memref<10000x128xf32, #tpu.memory_space<hbm>>
    tpu.enqueue_indirect_dma source(%dma_start3A_76 : memref<10000x128xf32, #tpu.memory_space<hbm>>) target(%dma_start3A_70 : memref<128x128xf32, #tpu.memory_space<vmem>>) offsets(%dma_start3A_73 : memref<128xi32, #tpu.memory_space<vmem>>) semaphore(%arg10 : memref<!tpu.dma_semaphore, #tpu.memory_space<semaphore_mem>>)
    %scan3A_77 = arith.constant 0 : i32
    %scan3A_78 = arith.constant 0 : i32
    %scan3A_79 = arith.constant 38 : i32
    %scan3A_80 = arith.addi %scan3A_78, %scan3A_79 : i32
    %scan3A_81 = arith.constant 1 : i32
    scf.for %scan3A_150 = %scan3A_78 to %scan3A_80 step %scan3A_81  : i32 {
      %mul3A_151 = arith.constant 2 : i32
      %mul3A_152 = arith.muli %mul3A_151, %scan3A_150 : i32
      %dma_wait3A_153 = arith.constant 1 : i32
      %dma_wait3A_154 = arith.constant 0 : i32
      %dma_wait3A_155 = arith.constant 0 : i32
      %dma_wait3A_156 = tpu.memref_slice %arg5[%dma_wait3A_153, %dma_wait3A_154, %dma_wait3A_155] : memref<2x2x128xi32, #tpu.memory_space<vmem>> -> memref<1x2x128xi32, #tpu.memory_space<vmem>>
      %dma_wait3A_157 = tpu.memref_squeeze %dma_wait3A_156 : memref<1x2x128xi32, #tpu.memory_space<vmem>> -> memref<2x128xi32, #tpu.memory_space<vmem>>
      %dma_wait3A_158 = arith.constant 0 : i32
      %dma_wait3A_159 = arith.constant 0 : i32
      %dma_wait3A_160 = tpu.memref_slice %arg3[%dma_wait3A_158, %dma_wait3A_159] : memref<2x320000xi32, #tpu.memory_space<hbm>> -> memref<2x128xi32, #tpu.memory_space<hbm>>
      %dma_wait3A_161 = arith.constant 0 : i32
      %dma_wait3A_162 = arith.constant 0 : i32
      %dma_wait3A_163 = tpu.memref_slice %arg5[%dma_wait3A_153, %dma_wait3A_161, %dma_wait3A_162] : memref<2x2x128xi32, #tpu.memory_space<vmem>> -> memref<1x2x128xi32, #tpu.memory_space<vmem>>
      %dma_wait3A_164 = tpu.memref_squeeze %dma_wait3A_163 : memref<1x2x128xi32, #tpu.memory_space<vmem>> -> memref<2x128xi32, #tpu.memory_space<vmem>>
      %dma_wait3A_165 = arith.constant 0 : i32
      %dma_wait3A_166 = arith.constant 0 : i32
      %dma_wait3A_167 = tpu.memref_slice %arg3[%dma_wait3A_165, %dma_wait3A_166] : memref<2x320000xi32, #tpu.memory_space<hbm>> -> memref<2x128xi32, #tpu.memory_space<hbm>>
      tpu.wait_dma2 semaphore(%arg9 : memref<!tpu.dma_semaphore, #tpu.memory_space<semaphore_mem>>) src(%dma_wait3A_167 : memref<2x128xi32, #tpu.memory_space<hbm>>) dst(%dma_wait3A_164 : memref<2x128xi32, #tpu.memory_space<vmem>>)
      %dma_start3A_168 = arith.constant 1 : i32
      %dma_start3A_169 = arith.constant 0 : i32
      %dma_start3A_170 = arith.constant 1 : i32
      %dma_start3A_171 = arith.constant 0 : i32
      %dma_start3A_172 = arith.constant 0 : i32
      %dma_start3A_173 = tpu.memref_slice %arg6[%dma_start3A_170, %dma_start3A_171, %dma_start3A_172] : memref<2x128x128xf32, #tpu.memory_space<vmem>> -> memref<1x128x128xf32, #tpu.memory_space<vmem>>
      %dma_start3A_174 = tpu.memref_squeeze %dma_start3A_173 : memref<1x128x128xf32, #tpu.memory_space<vmem>> -> memref<128x128xf32, #tpu.memory_space<vmem>>
      %dma_start3A_175 = arith.constant 0 : i32
      %dma_start3A_176 = tpu.memref_slice %arg5[%dma_start3A_168, %dma_start3A_169, %dma_start3A_175] : memref<2x2x128xi32, #tpu.memory_space<vmem>> -> memref<1x1x128xi32, #tpu.memory_space<vmem>>
      %dma_start3A_177 = tpu.memref_squeeze %dma_start3A_176 : memref<1x1x128xi32, #tpu.memory_space<vmem>> -> memref<128xi32, #tpu.memory_space<vmem>>
      %dma_start3A_178 = arith.constant 0 : i32
      %dma_start3A_179 = arith.constant 0 : i32
      %dma_start3A_180 = tpu.memref_slice %arg2[%dma_start3A_178, %dma_start3A_179] : memref<10000x128xf32, #tpu.memory_space<hbm>> -> memref<10000x128xf32, #tpu.memory_space<hbm>>
      tpu.enqueue_indirect_dma source(%dma_start3A_180 : memref<10000x128xf32, #tpu.memory_space<hbm>>) target(%dma_start3A_174 : memref<128x128xf32, #tpu.memory_space<vmem>>) offsets(%dma_start3A_177 : memref<128xi32, #tpu.memory_space<vmem>>) semaphore(%arg11 : memref<!tpu.dma_semaphore, #tpu.memory_space<semaphore_mem>>)
      %dma_wait3A_181 = arith.constant 0 : i32
      %dma_wait3A_182 = arith.constant 0 : i32
      %dma_wait3A_183 = arith.constant 0 : i32
      %dma_wait3A_184 = arith.constant 0 : i32
      %dma_wait3A_185 = arith.constant 0 : i32
      %dma_wait3A_186 = tpu.memref_slice %arg6[%dma_wait3A_183, %dma_wait3A_184, %dma_wait3A_185] : memref<2x128x128xf32, #tpu.memory_space<vmem>> -> memref<1x128x128xf32, #tpu.memory_space<vmem>>
      %dma_wait3A_187 = tpu.memref_squeeze %dma_wait3A_186 : memref<1x128x128xf32, #tpu.memory_space<vmem>> -> memref<128x128xf32, #tpu.memory_space<vmem>>
      %dma_wait3A_188 = arith.constant 0 : i32
      %dma_wait3A_189 = tpu.memref_slice %arg5[%dma_wait3A_181, %dma_wait3A_182, %dma_wait3A_188] : memref<2x2x128xi32, #tpu.memory_space<vmem>> -> memref<1x1x128xi32, #tpu.memory_space<vmem>>
      %dma_wait3A_190 = tpu.memref_squeeze %dma_wait3A_189 : memref<1x1x128xi32, #tpu.memory_space<vmem>> -> memref<128xi32, #tpu.memory_space<vmem>>
      %dma_wait3A_191 = arith.constant 0 : i32
      %dma_wait3A_192 = arith.constant 0 : i32
      %dma_wait3A_193 = tpu.memref_slice %arg2[%dma_wait3A_191, %dma_wait3A_192] : memref<10000x128xf32, #tpu.memory_space<hbm>> -> memref<10000x128xf32, #tpu.memory_space<hbm>>
      tpu.wait_indirect_dma semaphore(%arg10 : memref<!tpu.dma_semaphore, #tpu.memory_space<semaphore_mem>>) src(%dma_wait3A_193 : memref<10000x128xf32, #tpu.memory_space<hbm>>) dst(%dma_wait3A_187 : memref<128x128xf32, #tpu.memory_space<vmem>>)
      %run_scoped3A_194 = arith.constant 0 : i32
      %run_scoped3A_195 = arith.constant 0 : i32
      %run_scoped3A_196 = arith.constant 1 : i32
      "tpu.region"() ({
        %run_scoped3A_284 = tpu.sem_alloc : memref<!tpu.dma_semaphore, #tpu.memory_space<semaphore_mem>>
        %dma_start3A_285 = arith.constant 0 : i32
        %dma_start3A_286 = arith.constant 0 : i32
        %dma_start3A_287 = tpu.memref_slice %arg6[%run_scoped3A_194, %dma_start3A_285, %dma_start3A_286] : memref<2x128x128xf32, #tpu.memory_space<vmem>> -> memref<1x128x128xf32, #tpu.memory_space<vmem>>
        %dma_start3A_288 = tpu.memref_squeeze %dma_start3A_287 : memref<1x128x128xf32, #tpu.memory_space<vmem>> -> memref<128x128xf32, #tpu.memory_space<vmem>>
        %dma_start3A_289 = arith.constant 0 : i32
        %dma_start3A_290 = tpu.memref_slice %arg5[%run_scoped3A_195, %run_scoped3A_196, %dma_start3A_289] : memref<2x2x128xi32, #tpu.memory_space<vmem>> -> memref<1x1x128xi32, #tpu.memory_space<vmem>>
        %dma_start3A_291 = tpu.memref_squeeze %dma_start3A_290 : memref<1x1x128xi32, #tpu.memory_space<vmem>> -> memref<128xi32, #tpu.memory_space<vmem>>
        %dma_start3A_292 = arith.constant 0 : i32
        %dma_start3A_293 = arith.constant 0 : i32
        %dma_start3A_294 = tpu.memref_slice %arg7[%dma_start3A_292, %dma_start3A_293] : memref<10112x128xf32, #tpu.memory_space<vmem_shared>> -> memref<10112x128xf32, #tpu.memory_space<vmem_shared>>
        tpu.enqueue_indirect_dma source(%dma_start3A_288 : memref<128x128xf32, #tpu.memory_space<vmem>>) target(%dma_start3A_294 : memref<10112x128xf32, #tpu.memory_space<vmem_shared>>) offsets(%dma_start3A_291 : memref<128xi32, #tpu.memory_space<vmem>>) semaphore(%run_scoped3A_284 : memref<!tpu.dma_semaphore, #tpu.memory_space<semaphore_mem>>) {add = true}
        %dma_wait3A_295 = arith.constant 0 : i32
        %dma_wait3A_296 = arith.constant 0 : i32
        %dma_wait3A_297 = tpu.memref_slice %arg6[%run_scoped3A_194, %dma_wait3A_295, %dma_wait3A_296] : memref<2x128x128xf32, #tpu.memory_space<vmem>> -> memref<1x128x128xf32, #tpu.memory_space<vmem>>
        %dma_wait3A_298 = tpu.memref_squeeze %dma_wait3A_297 : memref<1x128x128xf32, #tpu.memory_space<vmem>> -> memref<128x128xf32, #tpu.memory_space<vmem>>
        %dma_wait3A_299 = arith.constant 0 : i32
        %dma_wait3A_300 = tpu.memref_slice %arg5[%run_scoped3A_195, %run_scoped3A_196, %dma_wait3A_299] : memref<2x2x128xi32, #tpu.memory_space<vmem>> -> memref<1x1x128xi32, #tpu.memory_space<vmem>>
        %dma_wait3A_301 = tpu.memref_squeeze %dma_wait3A_300 : memref<1x1x128xi32, #tpu.memory_space<vmem>> -> memref<128xi32, #tpu.memory_space<vmem>>
        %dma_wait3A_302 = arith.constant 0 : i32
        %dma_wait3A_303 = arith.constant 0 : i32
        %dma_wait3A_304 = tpu.memref_slice %arg7[%dma_wait3A_302, %dma_wait3A_303] : memref<10112x128xf32, #tpu.memory_space<vmem_shared>> -> memref<10112x128xf32, #tpu.memory_space<vmem_shared>>
        tpu.wait_indirect_dma semaphore(%run_scoped3A_284 : memref<!tpu.dma_semaphore, #tpu.memory_space<semaphore_mem>>) src(%dma_wait3A_298 : memref<128x128xf32, #tpu.memory_space<vmem>>) dst(%dma_wait3A_304 : memref<10112x128xf32, #tpu.memory_space<vmem_shared>>)
        tpu.yield
      }) : () -> ()
      %add3A_197 = arith.constant 2 : i32
      %add3A_198 = arith.addi %mul3A_152, %add3A_197 : i32
      %min3A = arith.constant 77 : i32
      %min3A_199 = arith.minsi %add3A_198, %min3A : i32
      %add3A_200 = arith.addi %mul3A_18, %min3A_199 : i32
      %mul3A_201 = arith.constant 128 : i32
      %mul3A_202 = arith.muli %add3A_200, %mul3A_201 : i32
      %dma_start3A_203 = arith.constant 0 : i32
      %dma_start3A_204 = arith.constant 0 : i32
      %dma_start3A_205 = arith.constant 0 : i32
      %dma_start3A_206 = tpu.memref_slice %arg5[%dma_start3A_203, %dma_start3A_204, %dma_start3A_205] : memref<2x2x128xi32, #tpu.memory_space<vmem>> -> memref<1x2x128xi32, #tpu.memory_space<vmem>>
      %dma_start3A_207 = tpu.memref_squeeze %dma_start3A_206 : memref<1x2x128xi32, #tpu.memory_space<vmem>> -> memref<2x128xi32, #tpu.memory_space<vmem>>
      %dma_start3A_208 = arith.constant 0 : i32
      %dma_start3A_209 = tpu.memref_slice %arg3[%dma_start3A_208, %mul3A_202] : memref<2x320000xi32, #tpu.memory_space<hbm>> -> memref<2x128xi32, #tpu.memory_space<hbm>>
      %dma_start3A_210 = arith.constant 0 : i32
      %dma_start3A_211 = arith.constant 0 : i32
      %dma_start3A_212 = tpu.memref_slice %arg5[%dma_start3A_203, %dma_start3A_210, %dma_start3A_211] : memref<2x2x128xi32, #tpu.memory_space<vmem>> -> memref<1x2x128xi32, #tpu.memory_space<vmem>>
      %dma_start3A_213 = tpu.memref_squeeze %dma_start3A_212 : memref<1x2x128xi32, #tpu.memory_space<vmem>> -> memref<2x128xi32, #tpu.memory_space<vmem>>
      %dma_start3A_214 = arith.constant 0 : i32
      %dma_start3A_215 = tpu.memref_slice %arg3[%dma_start3A_214, %mul3A_202] : memref<2x320000xi32, #tpu.memory_space<hbm>> -> memref<2x128xi32, #tpu.memory_space<hbm>>
      tpu.enqueue_dma source(%dma_start3A_215 : memref<2x128xi32, #tpu.memory_space<hbm>>) target(%dma_start3A_213 : memref<2x128xi32, #tpu.memory_space<vmem>>) target_semaphore(%arg8 : memref<!tpu.dma_semaphore, #tpu.memory_space<semaphore_mem>>)
      %mul3A_216 = arith.constant 2 : i32
      %mul3A_217 = arith.muli %mul3A_216, %scan3A_150 : i32
      %add3A_218 = arith.constant 1 : i32
      %add3A_219 = arith.addi %mul3A_217, %add3A_218 : i32
      %dma_wait3A_220 = arith.constant 0 : i32
      %dma_wait3A_221 = arith.constant 0 : i32
      %dma_wait3A_222 = arith.constant 0 : i32
      %dma_wait3A_223 = tpu.memref_slice %arg5[%dma_wait3A_220, %dma_wait3A_221, %dma_wait3A_222] : memref<2x2x128xi32, #tpu.memory_space<vmem>> -> memref<1x2x128xi32, #tpu.memory_space<vmem>>
      %dma_wait3A_224 = tpu.memref_squeeze %dma_wait3A_223 : memref<1x2x128xi32, #tpu.memory_space<vmem>> -> memref<2x128xi32, #tpu.memory_space<vmem>>
      %dma_wait3A_225 = arith.constant 0 : i32
      %dma_wait3A_226 = arith.constant 0 : i32
      %dma_wait3A_227 = tpu.memref_slice %arg3[%dma_wait3A_225, %dma_wait3A_226] : memref<2x320000xi32, #tpu.memory_space<hbm>> -> memref<2x128xi32, #tpu.memory_space<hbm>>
      %dma_wait3A_228 = arith.constant 0 : i32
      %dma_wait3A_229 = arith.constant 0 : i32
      %dma_wait3A_230 = tpu.memref_slice %arg5[%dma_wait3A_220, %dma_wait3A_228, %dma_wait3A_229] : memref<2x2x128xi32, #tpu.memory_space<vmem>> -> memref<1x2x128xi32, #tpu.memory_space<vmem>>
      %dma_wait3A_231 = tpu.memref_squeeze %dma_wait3A_230 : memref<1x2x128xi32, #tpu.memory_space<vmem>> -> memref<2x128xi32, #tpu.memory_space<vmem>>
      %dma_wait3A_232 = arith.constant 0 : i32
      %dma_wait3A_233 = arith.constant 0 : i32
      %dma_wait3A_234 = tpu.memref_slice %arg3[%dma_wait3A_232, %dma_wait3A_233] : memref<2x320000xi32, #tpu.memory_space<hbm>> -> memref<2x128xi32, #tpu.memory_space<hbm>>
      tpu.wait_dma2 semaphore(%arg8 : memref<!tpu.dma_semaphore, #tpu.memory_space<semaphore_mem>>) src(%dma_wait3A_234 : memref<2x128xi32, #tpu.memory_space<hbm>>) dst(%dma_wait3A_231 : memref<2x128xi32, #tpu.memory_space<vmem>>)
      %dma_start3A_235 = arith.constant 0 : i32
      %dma_start3A_236 = arith.constant 0 : i32
      %dma_start3A_237 = arith.constant 0 : i32
      %dma_start3A_238 = arith.constant 0 : i32
      %dma_start3A_239 = arith.constant 0 : i32
      %dma_start3A_240 = tpu.memref_slice %arg6[%dma_start3A_237, %dma_start3A_238, %dma_start3A_239] : memref<2x128x128xf32, #tpu.memory_space<vmem>> -> memref<1x128x128xf32, #tpu.memory_space<vmem>>
      %dma_start3A_241 = tpu.memref_squeeze %dma_start3A_240 : memref<1x128x128xf32, #tpu.memory_space<vmem>> -> memref<128x128xf32, #tpu.memory_space<vmem>>
      %dma_start3A_242 = arith.constant 0 : i32
      %dma_start3A_243 = tpu.memref_slice %arg5[%dma_start3A_235, %dma_start3A_236, %dma_start3A_242] : memref<2x2x128xi32, #tpu.memory_space<vmem>> -> memref<1x1x128xi32, #tpu.memory_space<vmem>>
      %dma_start3A_244 = tpu.memref_squeeze %dma_start3A_243 : memref<1x1x128xi32, #tpu.memory_space<vmem>> -> memref<128xi32, #tpu.memory_space<vmem>>
      %dma_start3A_245 = arith.constant 0 : i32
      %dma_start3A_246 = arith.constant 0 : i32
      %dma_start3A_247 = tpu.memref_slice %arg2[%dma_start3A_245, %dma_start3A_246] : memref<10000x128xf32, #tpu.memory_space<hbm>> -> memref<10000x128xf32, #tpu.memory_space<hbm>>
      tpu.enqueue_indirect_dma source(%dma_start3A_247 : memref<10000x128xf32, #tpu.memory_space<hbm>>) target(%dma_start3A_241 : memref<128x128xf32, #tpu.memory_space<vmem>>) offsets(%dma_start3A_244 : memref<128xi32, #tpu.memory_space<vmem>>) semaphore(%arg10 : memref<!tpu.dma_semaphore, #tpu.memory_space<semaphore_mem>>)
      %dma_wait3A_248 = arith.constant 1 : i32
      %dma_wait3A_249 = arith.constant 0 : i32
      %dma_wait3A_250 = arith.constant 1 : i32
      %dma_wait3A_251 = arith.constant 0 : i32
      %dma_wait3A_252 = arith.constant 0 : i32
      %dma_wait3A_253 = tpu.memref_slice %arg6[%dma_wait3A_250, %dma_wait3A_251, %dma_wait3A_252] : memref<2x128x128xf32, #tpu.memory_space<vmem>> -> memref<1x128x128xf32, #tpu.memory_space<vmem>>
      %dma_wait3A_254 = tpu.memref_squeeze %dma_wait3A_253 : memref<1x128x128xf32, #tpu.memory_space<vmem>> -> memref<128x128xf32, #tpu.memory_space<vmem>>
      %dma_wait3A_255 = arith.constant 0 : i32
      %dma_wait3A_256 = tpu.memref_slice %arg5[%dma_wait3A_248, %dma_wait3A_249, %dma_wait3A_255] : memref<2x2x128xi32, #tpu.memory_space<vmem>> -> memref<1x1x128xi32, #tpu.memory_space<vmem>>
      %dma_wait3A_257 = tpu.memref_squeeze %dma_wait3A_256 : memref<1x1x128xi32, #tpu.memory_space<vmem>> -> memref<128xi32, #tpu.memory_space<vmem>>
      %dma_wait3A_258 = arith.constant 0 : i32
      %dma_wait3A_259 = arith.constant 0 : i32
      %dma_wait3A_260 = tpu.memref_slice %arg2[%dma_wait3A_258, %dma_wait3A_259] : memref<10000x128xf32, #tpu.memory_space<hbm>> -> memref<10000x128xf32, #tpu.memory_space<hbm>>
      tpu.wait_indirect_dma semaphore(%arg11 : memref<!tpu.dma_semaphore, #tpu.memory_space<semaphore_mem>>) src(%dma_wait3A_260 : memref<10000x128xf32, #tpu.memory_space<hbm>>) dst(%dma_wait3A_254 : memref<128x128xf32, #tpu.memory_space<vmem>>)
      %run_scoped3A_261 = arith.constant 1 : i32
      %run_scoped3A_262 = arith.constant 1 : i32
      %run_scoped3A_263 = arith.constant 1 : i32
      "tpu.region"() ({
        %run_scoped3A_284 = tpu.sem_alloc : memref<!tpu.dma_semaphore, #tpu.memory_space<semaphore_mem>>
        %dma_start3A_285 = arith.constant 0 : i32
        %dma_start3A_286 = arith.constant 0 : i32
        %dma_start3A_287 = tpu.memref_slice %arg6[%run_scoped3A_261, %dma_start3A_285, %dma_start3A_286] : memref<2x128x128xf32, #tpu.memory_space<vmem>> -> memref<1x128x128xf32, #tpu.memory_space<vmem>>
        %dma_start3A_288 = tpu.memref_squeeze %dma_start3A_287 : memref<1x128x128xf32, #tpu.memory_space<vmem>> -> memref<128x128xf32, #tpu.memory_space<vmem>>
        %dma_start3A_289 = arith.constant 0 : i32
        %dma_start3A_290 = tpu.memref_slice %arg5[%run_scoped3A_262, %run_scoped3A_263, %dma_start3A_289] : memref<2x2x128xi32, #tpu.memory_space<vmem>> -> memref<1x1x128xi32, #tpu.memory_space<vmem>>
        %dma_start3A_291 = tpu.memref_squeeze %dma_start3A_290 : memref<1x1x128xi32, #tpu.memory_space<vmem>> -> memref<128xi32, #tpu.memory_space<vmem>>
        %dma_start3A_292 = arith.constant 0 : i32
        %dma_start3A_293 = arith.constant 0 : i32
        %dma_start3A_294 = tpu.memref_slice %arg7[%dma_start3A_292, %dma_start3A_293] : memref<10112x128xf32, #tpu.memory_space<vmem_shared>> -> memref<10112x128xf32, #tpu.memory_space<vmem_shared>>
        tpu.enqueue_indirect_dma source(%dma_start3A_288 : memref<128x128xf32, #tpu.memory_space<vmem>>) target(%dma_start3A_294 : memref<10112x128xf32, #tpu.memory_space<vmem_shared>>) offsets(%dma_start3A_291 : memref<128xi32, #tpu.memory_space<vmem>>) semaphore(%run_scoped3A_284 : memref<!tpu.dma_semaphore, #tpu.memory_space<semaphore_mem>>) {add = true}
        %dma_wait3A_295 = arith.constant 0 : i32
        %dma_wait3A_296 = arith.constant 0 : i32
        %dma_wait3A_297 = tpu.memref_slice %arg6[%run_scoped3A_261, %dma_wait3A_295, %dma_wait3A_296] : memref<2x128x128xf32, #tpu.memory_space<vmem>> -> memref<1x128x128xf32, #tpu.memory_space<vmem>>
        %dma_wait3A_298 = tpu.memref_squeeze %dma_wait3A_297 : memref<1x128x128xf32, #tpu.memory_space<vmem>> -> memref<128x128xf32, #tpu.memory_space<vmem>>
        %dma_wait3A_299 = arith.constant 0 : i32
        %dma_wait3A_300 = tpu.memref_slice %arg5[%run_scoped3A_262, %run_scoped3A_263, %dma_wait3A_299] : memref<2x2x128xi32, #tpu.memory_space<vmem>> -> memref<1x1x128xi32, #tpu.memory_space<vmem>>
        %dma_wait3A_301 = tpu.memref_squeeze %dma_wait3A_300 : memref<1x1x128xi32, #tpu.memory_space<vmem>> -> memref<128xi32, #tpu.memory_space<vmem>>
        %dma_wait3A_302 = arith.constant 0 : i32
        %dma_wait3A_303 = arith.constant 0 : i32
        %dma_wait3A_304 = tpu.memref_slice %arg7[%dma_wait3A_302, %dma_wait3A_303] : memref<10112x128xf32, #tpu.memory_space<vmem_shared>> -> memref<10112x128xf32, #tpu.memory_space<vmem_shared>>
        tpu.wait_indirect_dma semaphore(%run_scoped3A_284 : memref<!tpu.dma_semaphore, #tpu.memory_space<semaphore_mem>>) src(%dma_wait3A_298 : memref<128x128xf32, #tpu.memory_space<vmem>>) dst(%dma_wait3A_304 : memref<10112x128xf32, #tpu.memory_space<vmem_shared>>)
        tpu.yield
      }) : () -> ()
      %add3A_264 = arith.constant 2 : i32
      %add3A_265 = arith.addi %add3A_219, %add3A_264 : i32
      %min3A_266 = arith.constant 77 : i32
      %min3A_267 = arith.minsi %add3A_265, %min3A_266 : i32
      %add3A_268 = arith.addi %mul3A_18, %min3A_267 : i32
      %mul3A_269 = arith.constant 128 : i32
      %mul3A_270 = arith.muli %add3A_268, %mul3A_269 : i32
      %dma_start3A_271 = arith.constant 1 : i32
      %dma_start3A_272 = arith.constant 0 : i32
      %dma_start3A_273 = arith.constant 0 : i32
      %dma_start3A_274 = tpu.memref_slice %arg5[%dma_start3A_271, %dma_start3A_272, %dma_start3A_273] : memref<2x2x128xi32, #tpu.memory_space<vmem>> -> memref<1x2x128xi32, #tpu.memory_space<vmem>>
      %dma_start3A_275 = tpu.memref_squeeze %dma_start3A_274 : memref<1x2x128xi32, #tpu.memory_space<vmem>> -> memref<2x128xi32, #tpu.memory_space<vmem>>
      %dma_start3A_276 = arith.constant 0 : i32
      %dma_start3A_277 = tpu.memref_slice %arg3[%dma_start3A_276, %mul3A_270] : memref<2x320000xi32, #tpu.memory_space<hbm>> -> memref<2x128xi32, #tpu.memory_space<hbm>>
      %dma_start3A_278 = arith.constant 0 : i32
      %dma_start3A_279 = arith.constant 0 : i32
      %dma_start3A_280 = tpu.memref_slice %arg5[%dma_start3A_271, %dma_start3A_278, %dma_start3A_279] : memref<2x2x128xi32, #tpu.memory_space<vmem>> -> memref<1x2x128xi32, #tpu.memory_space<vmem>>
      %dma_start3A_281 = tpu.memref_squeeze %dma_start3A_280 : memref<1x2x128xi32, #tpu.memory_space<vmem>> -> memref<2x128xi32, #tpu.memory_space<vmem>>
      %dma_start3A_282 = arith.constant 0 : i32
      %dma_start3A_283 = tpu.memref_slice %arg3[%dma_start3A_282, %mul3A_270] : memref<2x320000xi32, #tpu.memory_space<hbm>> -> memref<2x128xi32, #tpu.memory_space<hbm>>
      tpu.enqueue_dma source(%dma_start3A_283 : memref<2x128xi32, #tpu.memory_space<hbm>>) target(%dma_start3A_281 : memref<2x128xi32, #tpu.memory_space<vmem>>) target_semaphore(%arg9 : memref<!tpu.dma_semaphore, #tpu.memory_space<semaphore_mem>>)
    }
    %scan3A_82 = arith.constant 38 : i32
    %dma_wait3A_83 = arith.constant 1 : i32
    %dma_wait3A_84 = arith.constant 0 : i32
    %dma_wait3A_85 = arith.constant 0 : i32
    %dma_wait3A_86 = tpu.memref_slice %arg5[%dma_wait3A_83, %dma_wait3A_84, %dma_wait3A_85] : memref<2x2x128xi32, #tpu.memory_space<vmem>> -> memref<1x2x128xi32, #tpu.memory_space<vmem>>
    %dma_wait3A_87 = tpu.memref_squeeze %dma_wait3A_86 : memref<1x2x128xi32, #tpu.memory_space<vmem>> -> memref<2x128xi32, #tpu.memory_space<vmem>>
    %dma_wait3A_88 = arith.constant 0 : i32
    %dma_wait3A_89 = arith.constant 0 : i32
    %dma_wait3A_90 = tpu.memref_slice %arg3[%dma_wait3A_88, %dma_wait3A_89] : memref<2x320000xi32, #tpu.memory_space<hbm>> -> memref<2x128xi32, #tpu.memory_space<hbm>>
    %dma_wait3A_91 = arith.constant 0 : i32
    %dma_wait3A_92 = arith.constant 0 : i32
    %dma_wait3A_93 = tpu.memref_slice %arg5[%dma_wait3A_83, %dma_wait3A_91, %dma_wait3A_92] : memref<2x2x128xi32, #tpu.memory_space<vmem>> -> memref<1x2x128xi32, #tpu.memory_space<vmem>>
    %dma_wait3A_94 = tpu.memref_squeeze %dma_wait3A_93 : memref<1x2x128xi32, #tpu.memory_space<vmem>> -> memref<2x128xi32, #tpu.memory_space<vmem>>
    %dma_wait3A_95 = arith.constant 0 : i32
    %dma_wait3A_96 = arith.constant 0 : i32
    %dma_wait3A_97 = tpu.memref_slice %arg3[%dma_wait3A_95, %dma_wait3A_96] : memref<2x320000xi32, #tpu.memory_space<hbm>> -> memref<2x128xi32, #tpu.memory_space<hbm>>
    tpu.wait_dma2 semaphore(%arg9 : memref<!tpu.dma_semaphore, #tpu.memory_space<semaphore_mem>>) src(%dma_wait3A_97 : memref<2x128xi32, #tpu.memory_space<hbm>>) dst(%dma_wait3A_94 : memref<2x128xi32, #tpu.memory_space<vmem>>)
    %dma_start3A_98 = arith.constant 1 : i32
    %dma_start3A_99 = arith.constant 0 : i32
    %dma_start3A_100 = arith.constant 1 : i32
    %dma_start3A_101 = arith.constant 0 : i32
    %dma_start3A_102 = arith.constant 0 : i32
    %dma_start3A_103 = tpu.memref_slice %arg6[%dma_start3A_100, %dma_start3A_101, %dma_start3A_102] : memref<2x128x128xf32, #tpu.memory_space<vmem>> -> memref<1x128x128xf32, #tpu.memory_space<vmem>>
    %dma_start3A_104 = tpu.memref_squeeze %dma_start3A_103 : memref<1x128x128xf32, #tpu.memory_space<vmem>> -> memref<128x128xf32, #tpu.memory_space<vmem>>
    %dma_start3A_105 = arith.constant 0 : i32
    %dma_start3A_106 = tpu.memref_slice %arg5[%dma_start3A_98, %dma_start3A_99, %dma_start3A_105] : memref<2x2x128xi32, #tpu.memory_space<vmem>> -> memref<1x1x128xi32, #tpu.memory_space<vmem>>
    %dma_start3A_107 = tpu.memref_squeeze %dma_start3A_106 : memref<1x1x128xi32, #tpu.memory_space<vmem>> -> memref<128xi32, #tpu.memory_space<vmem>>
    %dma_start3A_108 = arith.constant 0 : i32
    %dma_start3A_109 = arith.constant 0 : i32
    %dma_start3A_110 = tpu.memref_slice %arg2[%dma_start3A_108, %dma_start3A_109] : memref<10000x128xf32, #tpu.memory_space<hbm>> -> memref<10000x128xf32, #tpu.memory_space<hbm>>
    tpu.enqueue_indirect_dma source(%dma_start3A_110 : memref<10000x128xf32, #tpu.memory_space<hbm>>) target(%dma_start3A_104 : memref<128x128xf32, #tpu.memory_space<vmem>>) offsets(%dma_start3A_107 : memref<128xi32, #tpu.memory_space<vmem>>) semaphore(%arg11 : memref<!tpu.dma_semaphore, #tpu.memory_space<semaphore_mem>>)
    %dma_wait3A_111 = arith.constant 0 : i32
    %dma_wait3A_112 = arith.constant 0 : i32
    %dma_wait3A_113 = arith.constant 0 : i32
    %dma_wait3A_114 = arith.constant 0 : i32
    %dma_wait3A_115 = arith.constant 0 : i32
    %dma_wait3A_116 = tpu.memref_slice %arg6[%dma_wait3A_113, %dma_wait3A_114, %dma_wait3A_115] : memref<2x128x128xf32, #tpu.memory_space<vmem>> -> memref<1x128x128xf32, #tpu.memory_space<vmem>>
    %dma_wait3A_117 = tpu.memref_squeeze %dma_wait3A_116 : memref<1x128x128xf32, #tpu.memory_space<vmem>> -> memref<128x128xf32, #tpu.memory_space<vmem>>
    %dma_wait3A_118 = arith.constant 0 : i32
    %dma_wait3A_119 = tpu.memref_slice %arg5[%dma_wait3A_111, %dma_wait3A_112, %dma_wait3A_118] : memref<2x2x128xi32, #tpu.memory_space<vmem>> -> memref<1x1x128xi32, #tpu.memory_space<vmem>>
    %dma_wait3A_120 = tpu.memref_squeeze %dma_wait3A_119 : memref<1x1x128xi32, #tpu.memory_space<vmem>> -> memref<128xi32, #tpu.memory_space<vmem>>
    %dma_wait3A_121 = arith.constant 0 : i32
    %dma_wait3A_122 = arith.constant 0 : i32
    %dma_wait3A_123 = tpu.memref_slice %arg2[%dma_wait3A_121, %dma_wait3A_122] : memref<10000x128xf32, #tpu.memory_space<hbm>> -> memref<10000x128xf32, #tpu.memory_space<hbm>>
    tpu.wait_indirect_dma semaphore(%arg10 : memref<!tpu.dma_semaphore, #tpu.memory_space<semaphore_mem>>) src(%dma_wait3A_123 : memref<10000x128xf32, #tpu.memory_space<hbm>>) dst(%dma_wait3A_117 : memref<128x128xf32, #tpu.memory_space<vmem>>)
    %run_scoped3A_124 = arith.constant 0 : i32
    %run_scoped3A_125 = arith.constant 0 : i32
    %run_scoped3A_126 = arith.constant 1 : i32
    "tpu.region"() ({
      %run_scoped3A_150 = tpu.sem_alloc : memref<!tpu.dma_semaphore, #tpu.memory_space<semaphore_mem>>
      %dma_start3A_151 = arith.constant 0 : i32
      %dma_start3A_152 = arith.constant 0 : i32
      %dma_start3A_153 = tpu.memref_slice %arg6[%run_scoped3A_124, %dma_start3A_151, %dma_start3A_152] : memref<2x128x128xf32, #tpu.memory_space<vmem>> -> memref<1x128x128xf32, #tpu.memory_space<vmem>>
      %dma_start3A_154 = tpu.memref_squeeze %dma_start3A_153 : memref<1x128x128xf32, #tpu.memory_space<vmem>> -> memref<128x128xf32, #tpu.memory_space<vmem>>
      %dma_start3A_155 = arith.constant 0 : i32
      %dma_start3A_156 = tpu.memref_slice %arg5[%run_scoped3A_125, %run_scoped3A_126, %dma_start3A_155] : memref<2x2x128xi32, #tpu.memory_space<vmem>> -> memref<1x1x128xi32, #tpu.memory_space<vmem>>
      %dma_start3A_157 = tpu.memref_squeeze %dma_start3A_156 : memref<1x1x128xi32, #tpu.memory_space<vmem>> -> memref<128xi32, #tpu.memory_space<vmem>>
      %dma_start3A_158 = arith.constant 0 : i32
      %dma_start3A_159 = arith.constant 0 : i32
      %dma_start3A_160 = tpu.memref_slice %arg7[%dma_start3A_158, %dma_start3A_159] : memref<10112x128xf32, #tpu.memory_space<vmem_shared>> -> memref<10112x128xf32, #tpu.memory_space<vmem_shared>>
      tpu.enqueue_indirect_dma source(%dma_start3A_154 : memref<128x128xf32, #tpu.memory_space<vmem>>) target(%dma_start3A_160 : memref<10112x128xf32, #tpu.memory_space<vmem_shared>>) offsets(%dma_start3A_157 : memref<128xi32, #tpu.memory_space<vmem>>) semaphore(%run_scoped3A_150 : memref<!tpu.dma_semaphore, #tpu.memory_space<semaphore_mem>>) {add = true}
      %dma_wait3A_161 = arith.constant 0 : i32
      %dma_wait3A_162 = arith.constant 0 : i32
      %dma_wait3A_163 = tpu.memref_slice %arg6[%run_scoped3A_124, %dma_wait3A_161, %dma_wait3A_162] : memref<2x128x128xf32, #tpu.memory_space<vmem>> -> memref<1x128x128xf32, #tpu.memory_space<vmem>>
      %dma_wait3A_164 = tpu.memref_squeeze %dma_wait3A_163 : memref<1x128x128xf32, #tpu.memory_space<vmem>> -> memref<128x128xf32, #tpu.memory_space<vmem>>
      %dma_wait3A_165 = arith.constant 0 : i32
      %dma_wait3A_166 = tpu.memref_slice %arg5[%run_scoped3A_125, %run_scoped3A_126, %dma_wait3A_165] : memref<2x2x128xi32, #tpu.memory_space<vmem>> -> memref<1x1x128xi32, #tpu.memory_space<vmem>>
      %dma_wait3A_167 = tpu.memref_squeeze %dma_wait3A_166 : memref<1x1x128xi32, #tpu.memory_space<vmem>> -> memref<128xi32, #tpu.memory_space<vmem>>
      %dma_wait3A_168 = arith.constant 0 : i32
      %dma_wait3A_169 = arith.constant 0 : i32
      %dma_wait3A_170 = tpu.memref_slice %arg7[%dma_wait3A_168, %dma_wait3A_169] : memref<10112x128xf32, #tpu.memory_space<vmem_shared>> -> memref<10112x128xf32, #tpu.memory_space<vmem_shared>>
      tpu.wait_indirect_dma semaphore(%run_scoped3A_150 : memref<!tpu.dma_semaphore, #tpu.memory_space<semaphore_mem>>) src(%dma_wait3A_164 : memref<128x128xf32, #tpu.memory_space<vmem>>) dst(%dma_wait3A_170 : memref<10112x128xf32, #tpu.memory_space<vmem_shared>>)
      tpu.yield
    }) : () -> ()
    %dma_wait3A_127 = arith.constant 1 : i32
    %dma_wait3A_128 = arith.constant 0 : i32
    %dma_wait3A_129 = arith.constant 1 : i32
    %dma_wait3A_130 = arith.constant 0 : i32
    %dma_wait3A_131 = arith.constant 0 : i32
    %dma_wait3A_132 = tpu.memref_slice %arg6[%dma_wait3A_129, %dma_wait3A_130, %dma_wait3A_131] : memref<2x128x128xf32, #tpu.memory_space<vmem>> -> memref<1x128x128xf32, #tpu.memory_space<vmem>>
    %dma_wait3A_133 = tpu.memref_squeeze %dma_wait3A_132 : memref<1x128x128xf32, #tpu.memory_space<vmem>> -> memref<128x128xf32, #tpu.memory_space<vmem>>
    %dma_wait3A_134 = arith.constant 0 : i32
    %dma_wait3A_135 = tpu.memref_slice %arg5[%dma_wait3A_127, %dma_wait3A_128, %dma_wait3A_134] : memref<2x2x128xi32, #tpu.memory_space<vmem>> -> memref<1x1x128xi32, #tpu.memory_space<vmem>>
    %dma_wait3A_136 = tpu.memref_squeeze %dma_wait3A_135 : memref<1x1x128xi32, #tpu.memory_space<vmem>> -> memref<128xi32, #tpu.memory_space<vmem>>
    %dma_wait3A_137 = arith.constant 0 : i32
    %dma_wait3A_138 = arith.constant 0 : i32
    %dma_wait3A_139 = tpu.memref_slice %arg2[%dma_wait3A_137, %dma_wait3A_138] : memref<10000x128xf32, #tpu.memory_space<hbm>> -> memref<10000x128xf32, #tpu.memory_space<hbm>>
    tpu.wait_indirect_dma semaphore(%arg11 : memref<!tpu.dma_semaphore, #tpu.memory_space<semaphore_mem>>) src(%dma_wait3A_139 : memref<10000x128xf32, #tpu.memory_space<hbm>>) dst(%dma_wait3A_133 : memref<128x128xf32, #tpu.memory_space<vmem>>)
    %run_scoped3A_140 = arith.constant 1 : i32
    %run_scoped3A_141 = arith.constant 1 : i32
    %run_scoped3A_142 = arith.constant 1 : i32
    "tpu.region"() ({
      %run_scoped3A_150 = tpu.sem_alloc : memref<!tpu.dma_semaphore, #tpu.memory_space<semaphore_mem>>
      %dma_start3A_151 = arith.constant 0 : i32
      %dma_start3A_152 = arith.constant 0 : i32
      %dma_start3A_153 = tpu.memref_slice %arg6[%run_scoped3A_140, %dma_start3A_151, %dma_start3A_152] : memref<2x128x128xf32, #tpu.memory_space<vmem>> -> memref<1x128x128xf32, #tpu.memory_space<vmem>>
      %dma_start3A_154 = tpu.memref_squeeze %dma_start3A_153 : memref<1x128x128xf32, #tpu.memory_space<vmem>> -> memref<128x128xf32, #tpu.memory_space<vmem>>
      %dma_start3A_155 = arith.constant 0 : i32
      %dma_start3A_156 = tpu.memref_slice %arg5[%run_scoped3A_141, %run_scoped3A_142, %dma_start3A_155] : memref<2x2x128xi32, #tpu.memory_space<vmem>> -> memref<1x1x128xi32, #tpu.memory_space<vmem>>
      %dma_start3A_157 = tpu.memref_squeeze %dma_start3A_156 : memref<1x1x128xi32, #tpu.memory_space<vmem>> -> memref<128xi32, #tpu.memory_space<vmem>>
      %dma_start3A_158 = arith.constant 0 : i32
      %dma_start3A_159 = arith.constant 0 : i32
      %dma_start3A_160 = tpu.memref_slice %arg7[%dma_start3A_158, %dma_start3A_159] : memref<10112x128xf32, #tpu.memory_space<vmem_shared>> -> memref<10112x128xf32, #tpu.memory_space<vmem_shared>>
      tpu.enqueue_indirect_dma source(%dma_start3A_154 : memref<128x128xf32, #tpu.memory_space<vmem>>) target(%dma_start3A_160 : memref<10112x128xf32, #tpu.memory_space<vmem_shared>>) offsets(%dma_start3A_157 : memref<128xi32, #tpu.memory_space<vmem>>) semaphore(%run_scoped3A_150 : memref<!tpu.dma_semaphore, #tpu.memory_space<semaphore_mem>>) {add = true}
      %dma_wait3A_161 = arith.constant 0 : i32
      %dma_wait3A_162 = arith.constant 0 : i32
      %dma_wait3A_163 = tpu.memref_slice %arg6[%run_scoped3A_140, %dma_wait3A_161, %dma_wait3A_162] : memref<2x128x128xf32, #tpu.memory_space<vmem>> -> memref<1x128x128xf32, #tpu.memory_space<vmem>>
      %dma_wait3A_164 = tpu.memref_squeeze %dma_wait3A_163 : memref<1x128x128xf32, #tpu.memory_space<vmem>> -> memref<128x128xf32, #tpu.memory_space<vmem>>
      %dma_wait3A_165 = arith.constant 0 : i32
      %dma_wait3A_166 = tpu.memref_slice %arg5[%run_scoped3A_141, %run_scoped3A_142, %dma_wait3A_165] : memref<2x2x128xi32, #tpu.memory_space<vmem>> -> memref<1x1x128xi32, #tpu.memory_space<vmem>>
      %dma_wait3A_167 = tpu.memref_squeeze %dma_wait3A_166 : memref<1x1x128xi32, #tpu.memory_space<vmem>> -> memref<128xi32, #tpu.memory_space<vmem>>
      %dma_wait3A_168 = arith.constant 0 : i32
      %dma_wait3A_169 = arith.constant 0 : i32
      %dma_wait3A_170 = tpu.memref_slice %arg7[%dma_wait3A_168, %dma_wait3A_169] : memref<10112x128xf32, #tpu.memory_space<vmem_shared>> -> memref<10112x128xf32, #tpu.memory_space<vmem_shared>>
      tpu.wait_indirect_dma semaphore(%run_scoped3A_150 : memref<!tpu.dma_semaphore, #tpu.memory_space<semaphore_mem>>) src(%dma_wait3A_164 : memref<128x128xf32, #tpu.memory_space<vmem>>) dst(%dma_wait3A_170 : memref<10112x128xf32, #tpu.memory_space<vmem_shared>>)
      tpu.yield
    }) : () -> ()
    %lt3A = arith.constant 2 : i32
    %lt3A_143 = arith.cmpi slt, %arg1, %lt3A : i32
    %convert_element_type3A = arith.extui %lt3A_143 : i1 to i32
    %cond3A = arith.constant 0 : i32
    %cond3A_144 = arith.cmpi ne, %convert_element_type3A, %cond3A : i32
    scf.if %cond3A_144 {
      %mul3A_150 = arith.constant 2 : i32
      %mul3A_151 = arith.muli %arg0, %mul3A_150 : i32
      %add3A_152 = arith.constant 2496 : i32
      %add3A_153 = arith.addi %add3A_152, %mul3A_151 : i32
      %add3A_154 = arith.addi %add3A_153, %arg1 : i32
      %mul3A_155 = arith.constant 128 : i32
      %mul3A_156 = arith.muli %add3A_154, %mul3A_155 : i32
      %dma_start3A_157 = arith.constant 0 : i32
      %dma_start3A_158 = arith.constant 0 : i32
      %dma_start3A_159 = arith.constant 0 : i32
      %dma_start3A_160 = tpu.memref_slice %arg5[%dma_start3A_157, %dma_start3A_158, %dma_start3A_159] : memref<2x2x128xi32, #tpu.memory_space<vmem>> -> memref<1x2x128xi32, #tpu.memory_space<vmem>>
      %dma_start3A_161 = tpu.memref_squeeze %dma_start3A_160 : memref<1x2x128xi32, #tpu.memory_space<vmem>> -> memref<2x128xi32, #tpu.memory_space<vmem>>
      %dma_start3A_162 = arith.constant 0 : i32
      %dma_start3A_163 = tpu.memref_slice %arg3[%dma_start3A_162, %mul3A_156] : memref<2x320000xi32, #tpu.memory_space<hbm>> -> memref<2x128xi32, #tpu.memory_space<hbm>>
      %dma_start3A_164 = arith.constant 0 : i32
      %dma_start3A_165 = arith.constant 0 : i32
      %dma_start3A_166 = tpu.memref_slice %arg5[%dma_start3A_157, %dma_start3A_164, %dma_start3A_165] : memref<2x2x128xi32, #tpu.memory_space<vmem>> -> memref<1x2x128xi32, #tpu.memory_space<vmem>>
      %dma_start3A_167 = tpu.memref_squeeze %dma_start3A_166 : memref<1x2x128xi32, #tpu.memory_space<vmem>> -> memref<2x128xi32, #tpu.memory_space<vmem>>
      %dma_start3A_168 = arith.constant 0 : i32
      %dma_start3A_169 = tpu.memref_slice %arg3[%dma_start3A_168, %mul3A_156] : memref<2x320000xi32, #tpu.memory_space<hbm>> -> memref<2x128xi32, #tpu.memory_space<hbm>>
      tpu.enqueue_dma source(%dma_start3A_169 : memref<2x128xi32, #tpu.memory_space<hbm>>) target(%dma_start3A_167 : memref<2x128xi32, #tpu.memory_space<vmem>>) target_semaphore(%arg8 : memref<!tpu.dma_semaphore, #tpu.memory_space<semaphore_mem>>)
      %dma_wait3A_170 = arith.constant 0 : i32
      %dma_wait3A_171 = arith.constant 0 : i32
      %dma_wait3A_172 = arith.constant 0 : i32
      %dma_wait3A_173 = tpu.memref_slice %arg5[%dma_wait3A_170, %dma_wait3A_171, %dma_wait3A_172] : memref<2x2x128xi32, #tpu.memory_space<vmem>> -> memref<1x2x128xi32, #tpu.memory_space<vmem>>
      %dma_wait3A_174 = tpu.memref_squeeze %dma_wait3A_173 : memref<1x2x128xi32, #tpu.memory_space<vmem>> -> memref<2x128xi32, #tpu.memory_space<vmem>>
      %dma_wait3A_175 = arith.constant 0 : i32
      %dma_wait3A_176 = arith.constant 0 : i32
      %dma_wait3A_177 = tpu.memref_slice %arg3[%dma_wait3A_175, %dma_wait3A_176] : memref<2x320000xi32, #tpu.memory_space<hbm>> -> memref<2x128xi32, #tpu.memory_space<hbm>>
      %dma_wait3A_178 = arith.constant 0 : i32
      %dma_wait3A_179 = arith.constant 0 : i32
      %dma_wait3A_180 = tpu.memref_slice %arg5[%dma_wait3A_170, %dma_wait3A_178, %dma_wait3A_179] : memref<2x2x128xi32, #tpu.memory_space<vmem>> -> memref<1x2x128xi32, #tpu.memory_space<vmem>>
      %dma_wait3A_181 = tpu.memref_squeeze %dma_wait3A_180 : memref<1x2x128xi32, #tpu.memory_space<vmem>> -> memref<2x128xi32, #tpu.memory_space<vmem>>
      %dma_wait3A_182 = arith.constant 0 : i32
      %dma_wait3A_183 = arith.constant 0 : i32
      %dma_wait3A_184 = tpu.memref_slice %arg3[%dma_wait3A_182, %dma_wait3A_183] : memref<2x320000xi32, #tpu.memory_space<hbm>> -> memref<2x128xi32, #tpu.memory_space<hbm>>
      tpu.wait_dma2 semaphore(%arg8 : memref<!tpu.dma_semaphore, #tpu.memory_space<semaphore_mem>>) src(%dma_wait3A_184 : memref<2x128xi32, #tpu.memory_space<hbm>>) dst(%dma_wait3A_181 : memref<2x128xi32, #tpu.memory_space<vmem>>)
      %dma_start3A_185 = arith.constant 0 : i32
      %dma_start3A_186 = arith.constant 0 : i32
      %dma_start3A_187 = arith.constant 0 : i32
      %dma_start3A_188 = arith.constant 0 : i32
      %dma_start3A_189 = arith.constant 0 : i32
      %dma_start3A_190 = tpu.memref_slice %arg6[%dma_start3A_187, %dma_start3A_188, %dma_start3A_189] : memref<2x128x128xf32, #tpu.memory_space<vmem>> -> memref<1x128x128xf32, #tpu.memory_space<vmem>>
      %dma_start3A_191 = tpu.memref_squeeze %dma_start3A_190 : memref<1x128x128xf32, #tpu.memory_space<vmem>> -> memref<128x128xf32, #tpu.memory_space<vmem>>
      %dma_start3A_192 = arith.constant 0 : i32
      %dma_start3A_193 = tpu.memref_slice %arg5[%dma_start3A_185, %dma_start3A_186, %dma_start3A_192] : memref<2x2x128xi32, #tpu.memory_space<vmem>> -> memref<1x1x128xi32, #tpu.memory_space<vmem>>
      %dma_start3A_194 = tpu.memref_squeeze %dma_start3A_193 : memref<1x1x128xi32, #tpu.memory_space<vmem>> -> memref<128xi32, #tpu.memory_space<vmem>>
      %dma_start3A_195 = arith.constant 0 : i32
      %dma_start3A_196 = arith.constant 0 : i32
      %dma_start3A_197 = tpu.memref_slice %arg2[%dma_start3A_195, %dma_start3A_196] : memref<10000x128xf32, #tpu.memory_space<hbm>> -> memref<10000x128xf32, #tpu.memory_space<hbm>>
      tpu.enqueue_indirect_dma source(%dma_start3A_197 : memref<10000x128xf32, #tpu.memory_space<hbm>>) target(%dma_start3A_191 : memref<128x128xf32, #tpu.memory_space<vmem>>) offsets(%dma_start3A_194 : memref<128xi32, #tpu.memory_space<vmem>>) semaphore(%arg10 : memref<!tpu.dma_semaphore, #tpu.memory_space<semaphore_mem>>)
      %dma_wait3A_198 = arith.constant 0 : i32
      %dma_wait3A_199 = arith.constant 0 : i32
      %dma_wait3A_200 = arith.constant 0 : i32
      %dma_wait3A_201 = arith.constant 0 : i32
      %dma_wait3A_202 = arith.constant 0 : i32
      %dma_wait3A_203 = tpu.memref_slice %arg6[%dma_wait3A_200, %dma_wait3A_201, %dma_wait3A_202] : memref<2x128x128xf32, #tpu.memory_space<vmem>> -> memref<1x128x128xf32, #tpu.memory_space<vmem>>
      %dma_wait3A_204 = tpu.memref_squeeze %dma_wait3A_203 : memref<1x128x128xf32, #tpu.memory_space<vmem>> -> memref<128x128xf32, #tpu.memory_space<vmem>>
      %dma_wait3A_205 = arith.constant 0 : i32
      %dma_wait3A_206 = tpu.memref_slice %arg5[%dma_wait3A_198, %dma_wait3A_199, %dma_wait3A_205] : memref<2x2x128xi32, #tpu.memory_space<vmem>> -> memref<1x1x128xi32, #tpu.memory_space<vmem>>
      %dma_wait3A_207 = tpu.memref_squeeze %dma_wait3A_206 : memref<1x1x128xi32, #tpu.memory_space<vmem>> -> memref<128xi32, #tpu.memory_space<vmem>>
      %dma_wait3A_208 = arith.constant 0 : i32
      %dma_wait3A_209 = arith.constant 0 : i32
      %dma_wait3A_210 = tpu.memref_slice %arg2[%dma_wait3A_208, %dma_wait3A_209] : memref<10000x128xf32, #tpu.memory_space<hbm>> -> memref<10000x128xf32, #tpu.memory_space<hbm>>
      tpu.wait_indirect_dma semaphore(%arg10 : memref<!tpu.dma_semaphore, #tpu.memory_space<semaphore_mem>>) src(%dma_wait3A_210 : memref<10000x128xf32, #tpu.memory_space<hbm>>) dst(%dma_wait3A_204 : memref<128x128xf32, #tpu.memory_space<vmem>>)
      %run_scoped3A_211 = arith.constant 0 : i32
      %run_scoped3A_212 = arith.constant 0 : i32
      %run_scoped3A_213 = arith.constant 1 : i32
      "tpu.region"() ({
        %run_scoped3A_214 = tpu.sem_alloc : memref<!tpu.dma_semaphore, #tpu.memory_space<semaphore_mem>>
        %dma_start3A_215 = arith.constant 0 : i32
        %dma_start3A_216 = arith.constant 0 : i32
        %dma_start3A_217 = tpu.memref_slice %arg6[%run_scoped3A_211, %dma_start3A_215, %dma_start3A_216] : memref<2x128x128xf32, #tpu.memory_space<vmem>> -> memref<1x128x128xf32, #tpu.memory_space<vmem>>
        %dma_start3A_218 = tpu.memref_squeeze %dma_start3A_217 : memref<1x128x128xf32, #tpu.memory_space<vmem>> -> memref<128x128xf32, #tpu.memory_space<vmem>>
        %dma_start3A_219 = arith.constant 0 : i32
        %dma_start3A_220 = tpu.memref_slice %arg5[%run_scoped3A_212, %run_scoped3A_213, %dma_start3A_219] : memref<2x2x128xi32, #tpu.memory_space<vmem>> -> memref<1x1x128xi32, #tpu.memory_space<vmem>>
        %dma_start3A_221 = tpu.memref_squeeze %dma_start3A_220 : memref<1x1x128xi32, #tpu.memory_space<vmem>> -> memref<128xi32, #tpu.memory_space<vmem>>
        %dma_start3A_222 = arith.constant 0 : i32
        %dma_start3A_223 = arith.constant 0 : i32
        %dma_start3A_224 = tpu.memref_slice %arg7[%dma_start3A_222, %dma_start3A_223] : memref<10112x128xf32, #tpu.memory_space<vmem_shared>> -> memref<10112x128xf32, #tpu.memory_space<vmem_shared>>
        tpu.enqueue_indirect_dma source(%dma_start3A_218 : memref<128x128xf32, #tpu.memory_space<vmem>>) target(%dma_start3A_224 : memref<10112x128xf32, #tpu.memory_space<vmem_shared>>) offsets(%dma_start3A_221 : memref<128xi32, #tpu.memory_space<vmem>>) semaphore(%run_scoped3A_214 : memref<!tpu.dma_semaphore, #tpu.memory_space<semaphore_mem>>) {add = true}
        %dma_wait3A_225 = arith.constant 0 : i32
        %dma_wait3A_226 = arith.constant 0 : i32
        %dma_wait3A_227 = tpu.memref_slice %arg6[%run_scoped3A_211, %dma_wait3A_225, %dma_wait3A_226] : memref<2x128x128xf32, #tpu.memory_space<vmem>> -> memref<1x128x128xf32, #tpu.memory_space<vmem>>
        %dma_wait3A_228 = tpu.memref_squeeze %dma_wait3A_227 : memref<1x128x128xf32, #tpu.memory_space<vmem>> -> memref<128x128xf32, #tpu.memory_space<vmem>>
        %dma_wait3A_229 = arith.constant 0 : i32
        %dma_wait3A_230 = tpu.memref_slice %arg5[%run_scoped3A_212, %run_scoped3A_213, %dma_wait3A_229] : memref<2x2x128xi32, #tpu.memory_space<vmem>> -> memref<1x1x128xi32, #tpu.memory_space<vmem>>
        %dma_wait3A_231 = tpu.memref_squeeze %dma_wait3A_230 : memref<1x1x128xi32, #tpu.memory_space<vmem>> -> memref<128xi32, #tpu.memory_space<vmem>>
        %dma_wait3A_232 = arith.constant 0 : i32
        %dma_wait3A_233 = arith.constant 0 : i32
        %dma_wait3A_234 = tpu.memref_slice %arg7[%dma_wait3A_232, %dma_wait3A_233] : memref<10112x128xf32, #tpu.memory_space<vmem_shared>> -> memref<10112x128xf32, #tpu.memory_space<vmem_shared>>
        tpu.wait_indirect_dma semaphore(%run_scoped3A_214 : memref<!tpu.dma_semaphore, #tpu.memory_space<semaphore_mem>>) src(%dma_wait3A_228 : memref<128x128xf32, #tpu.memory_space<vmem>>) dst(%dma_wait3A_234 : memref<10112x128xf32, #tpu.memory_space<vmem_shared>>)
        tpu.yield
      }) : () -> ()
    } else {
    }
    %barrier3A_145 = arith.constant 0 : index
    tpu.barrier barrier_id(%barrier3A_145)
    %mul3A_146 = arith.constant 632 : i32
    %mul3A_147 = arith.muli %arg1, %mul3A_146 : i32
    %mul3A_148 = arith.constant 632 : i32
    %mul3A_149 = arith.muli %arg1, %mul3A_148 : i32
    "tpu.region"() ({
      %run_scoped3A_150 = tpu.sem_alloc : memref<!tpu.dma_semaphore, #tpu.memory_space<semaphore_mem>>
      %dma_start3A_151 = arith.constant 0 : i32
      %dma_start3A_152 = tpu.memref_slice %arg4[%arg0, %mul3A_149, %dma_start3A_151] : memref<2x10112x128xf32, #tpu.memory_space<hbm>> -> memref<1x632x128xf32, #tpu.memory_space<hbm>>
      %dma_start3A_153 = tpu.memref_squeeze %dma_start3A_152 : memref<1x632x128xf32, #tpu.memory_space<hbm>> -> memref<632x128xf32, #tpu.memory_space<hbm>>
      %dma_start3A_154 = arith.constant 0 : i32
      %dma_start3A_155 = tpu.memref_slice %arg7[%mul3A_147, %dma_start3A_154] : memref<10112x128xf32, #tpu.memory_space<vmem_shared>> -> memref<632x128xf32, #tpu.memory_space<vmem_shared>>
      tpu.enqueue_dma source(%dma_start3A_155 : memref<632x128xf32, #tpu.memory_space<vmem_shared>>) target(%dma_start3A_153 : memref<632x128xf32, #tpu.memory_space<hbm>>) target_semaphore(%run_scoped3A_150 : memref<!tpu.dma_semaphore, #tpu.memory_space<semaphore_mem>>)
      %dma_wait3A_156 = arith.constant 0 : i32
      %dma_wait3A_157 = tpu.memref_slice %arg4[%arg0, %mul3A_149, %dma_wait3A_156] : memref<2x10112x128xf32, #tpu.memory_space<hbm>> -> memref<1x632x128xf32, #tpu.memory_space<hbm>>
      %dma_wait3A_158 = tpu.memref_squeeze %dma_wait3A_157 : memref<1x632x128xf32, #tpu.memory_space<hbm>> -> memref<632x128xf32, #tpu.memory_space<hbm>>
      %dma_wait3A_159 = arith.constant 0 : i32
      %dma_wait3A_160 = tpu.memref_slice %arg7[%mul3A_147, %dma_wait3A_159] : memref<10112x128xf32, #tpu.memory_space<vmem_shared>> -> memref<632x128xf32, #tpu.memory_space<vmem_shared>>
      tpu.wait_dma2 semaphore(%run_scoped3A_150 : memref<!tpu.dma_semaphore, #tpu.memory_space<semaphore_mem>>) src(%dma_wait3A_160 : memref<632x128xf32, #tpu.memory_space<vmem_shared>>) dst(%dma_wait3A_158 : memref<632x128xf32, #tpu.memory_space<hbm>>)
      tpu.yield
    }) : () -> ()
    return
  }
}

module attributes {stable_mosaic.version = 14 : i64} {
  func.func @_pre_body(%arg0: i32, %arg1: memref<2000x128xf32, #tpu.memory_space<vmem>>, %arg2: memref<128x128xf32, #tpu.memory_space<vmem>>, %arg3: memref<1x128xf32, #tpu.memory_space<vmem>>, %arg4: memref<128x128xf32, #tpu.memory_space<vmem>>, %arg5: memref<1x128xf32, #tpu.memory_space<vmem>>, %arg6: memref<128x128xf32, #tpu.memory_space<vmem>>, %arg7: memref<1x128xf32, #tpu.memory_space<vmem>>, %arg8: memref<2000x128xf32, #tpu.memory_space<vmem>>, %arg9: memref<2000x128xf32, #tpu.memory_space<vmem>>) attributes {dimension_semantics = [#tpu.dimension_semantics<parallel>], iteration_bounds = array<i64: 5>, scalar_prefetch = 0 : i64, scratch_operands = 0 : i64, tpu.core_type = #tpu.core_type<tc>, window_params = [{transform_indices = @transform_0, window_bounds = array<i64: 2000, 128>}, {pipeline_mode = #tpu.pipeline_mode<synchronous>, transform_indices = @transform_1, window_bounds = array<i64: 128, 128>}, {pipeline_mode = #tpu.pipeline_mode<synchronous>, transform_indices = @transform_2, window_bounds = array<i64: 1, 128>}, {pipeline_mode = #tpu.pipeline_mode<synchronous>, transform_indices = @transform_3, window_bounds = array<i64: 128, 128>}, {pipeline_mode = #tpu.pipeline_mode<synchronous>, transform_indices = @transform_4, window_bounds = array<i64: 1, 128>}, {pipeline_mode = #tpu.pipeline_mode<synchronous>, transform_indices = @transform_5, window_bounds = array<i64: 128, 128>}, {pipeline_mode = #tpu.pipeline_mode<synchronous>, transform_indices = @transform_6, window_bounds = array<i64: 1, 128>}, {transform_indices = @transform_7, window_bounds = array<i64: 2000, 128>}, {transform_indices = @transform_8, window_bounds = array<i64: 2000, 128>}]} {
    %get3A = arith.constant 0 : index
    %get3A_0 = arith.constant 0 : index
    %get3A_1 = vector.load %arg1[%get3A, %get3A_0] : memref<2000x128xf32, #tpu.memory_space<vmem>>, vector<2000x128xf32>
    %get3A_2 = arith.constant 0 : index
    %get3A_3 = arith.constant 0 : index
    %get3A_4 = vector.load %arg2[%get3A_2, %get3A_3] : memref<128x128xf32, #tpu.memory_space<vmem>>, vector<128x128xf32>
    %dot_general3A = arith.constant dense<0.000000e+00> : vector<2000x128xf32>
    %dot_general3A_5 = tpu.matmul %get3A_1, %get3A_4, %dot_general3A {dimension_numbers = #tpu.dot_dimension_numbers<[1], [0], [0], [1], [0, 0, 1, 1], [], []>, transpose_lhs_hint = false} : vector<2000x128xf32>, vector<128x128xf32>, vector<2000x128xf32> -> vector<2000x128xf32>
    %get3A_6 = arith.constant 0 : index
    %get3A_7 = arith.constant 0 : index
    %get3A_8 = vector.load %arg3[%get3A_6, %get3A_7] : memref<1x128xf32, #tpu.memory_space<vmem>>, vector<1x128xf32>
    %add3A = vector.broadcast %get3A_8 : vector<1x128xf32> to vector<2000x128xf32>
    %add3A_9 = arith.addf %dot_general3A_5, %add3A : vector<2000x128xf32>
    %max3A = arith.constant 0.000000e+00 : f32
    %max3A_10 = vector.broadcast %max3A : f32 to vector<2000x128xf32>
    %max3A_11 = arith.maximumf %add3A_9, %max3A_10 : vector<2000x128xf32>
    %get3A_12 = arith.constant 0 : index
    %get3A_13 = arith.constant 0 : index
    %get3A_14 = vector.load %arg4[%get3A_12, %get3A_13] : memref<128x128xf32, #tpu.memory_space<vmem>>, vector<128x128xf32>
    %dot_general3A_15 = arith.constant dense<0.000000e+00> : vector<2000x128xf32>
    %dot_general3A_16 = tpu.matmul %max3A_11, %get3A_14, %dot_general3A_15 {dimension_numbers = #tpu.dot_dimension_numbers<[1], [0], [0], [1], [0, 0, 1, 1], [], []>, transpose_lhs_hint = false} : vector<2000x128xf32>, vector<128x128xf32>, vector<2000x128xf32> -> vector<2000x128xf32>
    %get3A_17 = arith.constant 0 : index
    %get3A_18 = arith.constant 0 : index
    %get3A_19 = vector.load %arg5[%get3A_17, %get3A_18] : memref<1x128xf32, #tpu.memory_space<vmem>>, vector<1x128xf32>
    %add3A_20 = vector.broadcast %get3A_19 : vector<1x128xf32> to vector<2000x128xf32>
    %add3A_21 = arith.addf %dot_general3A_16, %add3A_20 : vector<2000x128xf32>
    %swap3A = arith.constant 0 : index
    %swap3A_22 = arith.constant 0 : index
    %swap3A_23 = vector.load %arg8[%swap3A, %swap3A_22] : memref<2000x128xf32, #tpu.memory_space<vmem>>, vector<2000x128xf32>
    tpu.vector_store %arg8[%swap3A, %swap3A_22], %add3A_21 {strides = array<i32>} : memref<2000x128xf32, #tpu.memory_space<vmem>>, vector<2000x128xf32>,
    %get3A_24 = arith.constant 0 : index
    %get3A_25 = arith.constant 0 : index
    %get3A_26 = vector.load %arg6[%get3A_24, %get3A_25] : memref<128x128xf32, #tpu.memory_space<vmem>>, vector<128x128xf32>
    %dot_general3A_27 = arith.constant dense<0.000000e+00> : vector<2000x128xf32>
    %dot_general3A_28 = tpu.matmul %add3A_21, %get3A_26, %dot_general3A_27 {dimension_numbers = #tpu.dot_dimension_numbers<[1], [0], [0], [1], [0, 0, 1, 1], [], []>, transpose_lhs_hint = false} : vector<2000x128xf32>, vector<128x128xf32>, vector<2000x128xf32> -> vector<2000x128xf32>
    %get3A_29 = arith.constant 0 : index
    %get3A_30 = arith.constant 0 : index
    %get3A_31 = vector.load %arg7[%get3A_29, %get3A_30] : memref<1x128xf32, #tpu.memory_space<vmem>>, vector<1x128xf32>
    %add3A_32 = vector.broadcast %get3A_31 : vector<1x128xf32> to vector<2000x128xf32>
    %add3A_33 = arith.addf %dot_general3A_28, %add3A_32 : vector<2000x128xf32>
    %max3A_34 = arith.constant 0.000000e+00 : f32
    %max3A_35 = vector.broadcast %max3A_34 : f32 to vector<2000x128xf32>
    %max3A_36 = arith.maximumf %add3A_33, %max3A_35 : vector<2000x128xf32>
    %swap3A_37 = arith.constant 0 : index
    %swap3A_38 = arith.constant 0 : index
    %swap3A_39 = vector.load %arg9[%swap3A_37, %swap3A_38] : memref<2000x128xf32, #tpu.memory_space<vmem>>, vector<2000x128xf32>
    tpu.vector_store %arg9[%swap3A_37, %swap3A_38], %max3A_36 {strides = array<i32>} : memref<2000x128xf32, #tpu.memory_space<vmem>>, vector<2000x128xf32>,
    return
  }
  func.func @transform_0(%arg0: i32) -> (i32, i32) {
    %c0_i32 = arith.constant 0 : i32
    %c0_i32_0 = arith.constant 0 : i32
    return %arg0, %c0_i32 : i32, i32
  }
  func.func @transform_1(%arg0: i32) -> (i32, i32) {
    %c0_i32 = arith.constant 0 : i32
    %c0_i32_0 = arith.constant 0 : i32
    %c0_i32_1 = arith.constant 0 : i32
    return %c0_i32, %c0_i32_0 : i32, i32
  }
  func.func @transform_2(%arg0: i32) -> (i32, i32) {
    %c0_i32 = arith.constant 0 : i32
    %c0_i32_0 = arith.constant 0 : i32
    %c0_i32_1 = arith.constant 0 : i32
    return %c0_i32, %c0_i32_0 : i32, i32
  }
  func.func @transform_3(%arg0: i32) -> (i32, i32) {
    %c0_i32 = arith.constant 0 : i32
    %c0_i32_0 = arith.constant 0 : i32
    %c0_i32_1 = arith.constant 0 : i32
    return %c0_i32, %c0_i32_0 : i32, i32
  }
  func.func @transform_4(%arg0: i32) -> (i32, i32) {
    %c0_i32 = arith.constant 0 : i32
    %c0_i32_0 = arith.constant 0 : i32
    %c0_i32_1 = arith.constant 0 : i32
    return %c0_i32, %c0_i32_0 : i32, i32
  }
  func.func @transform_5(%arg0: i32) -> (i32, i32) {
    %c0_i32 = arith.constant 0 : i32
    %c0_i32_0 = arith.constant 0 : i32
    %c0_i32_1 = arith.constant 0 : i32
    return %c0_i32, %c0_i32_0 : i32, i32
  }
  func.func @transform_6(%arg0: i32) -> (i32, i32) {
    %c0_i32 = arith.constant 0 : i32
    %c0_i32_0 = arith.constant 0 : i32
    %c0_i32_1 = arith.constant 0 : i32
    return %c0_i32, %c0_i32_0 : i32, i32
  }
  func.func @transform_7(%arg0: i32) -> (i32, i32) {
    %c0_i32 = arith.constant 0 : i32
    %c0_i32_0 = arith.constant 0 : i32
    return %arg0, %c0_i32 : i32, i32
  }
  func.func @transform_8(%arg0: i32) -> (i32, i32) {
    %c0_i32 = arith.constant 0 : i32
    %c0_i32_0 = arith.constant 0 : i32
    return %arg0, %c0_i32 : i32, i32
  }
}

module attributes {stable_mosaic.version = 14 : i64} {
  func.func @_post_body(%arg0: i32, %arg1: memref<2000x128xf32, #tpu.memory_space<vmem>>, %arg2: memref<1x2000x128xf32, #tpu.memory_space<vmem>>, %arg3: memref<1x2000x128xf32, #tpu.memory_space<vmem>>, %arg4: memref<128x128xf32, #tpu.memory_space<vmem>>, %arg5: memref<128x128xf32, #tpu.memory_space<vmem>>, %arg6: memref<1x128xf32, #tpu.memory_space<vmem>>, %arg7: memref<128x128xf32, #tpu.memory_space<vmem>>, %arg8: memref<1x128xf32, #tpu.memory_space<vmem>>, %arg9: memref<2000x128xf32, #tpu.memory_space<vmem>>) attributes {dimension_semantics = [#tpu.dimension_semantics<parallel>], iteration_bounds = array<i64: 5>, scalar_prefetch = 0 : i64, scratch_operands = 0 : i64, tpu.core_type = #tpu.core_type<tc>, window_params = [{transform_indices = @transform_0, window_bounds = array<i64: 2000, 128>}, {transform_indices = @transform_1, window_bounds = array<i64: 1, 2000, 128>}, {transform_indices = @transform_2, window_bounds = array<i64: 1, 2000, 128>}, {pipeline_mode = #tpu.pipeline_mode<synchronous>, transform_indices = @transform_3, window_bounds = array<i64: 128, 128>}, {pipeline_mode = #tpu.pipeline_mode<synchronous>, transform_indices = @transform_4, window_bounds = array<i64: 128, 128>}, {pipeline_mode = #tpu.pipeline_mode<synchronous>, transform_indices = @transform_5, window_bounds = array<i64: 1, 128>}, {pipeline_mode = #tpu.pipeline_mode<synchronous>, transform_indices = @transform_6, window_bounds = array<i64: 128, 128>}, {pipeline_mode = #tpu.pipeline_mode<synchronous>, transform_indices = @transform_7, window_bounds = array<i64: 1, 128>}, {transform_indices = @transform_8, window_bounds = array<i64: 2000, 128>}]} {
    %get3A = arith.constant 0 : index
    %get3A_0 = arith.constant 0 : index
    %get3A_1 = arith.constant 0 : index
    %get3A_2 = vector.load %arg2[%get3A, %get3A_0, %get3A_1] : memref<1x2000x128xf32, #tpu.memory_space<vmem>>, vector<1x2000x128xf32>
    %get3A_3 = vector.shape_cast %get3A_2 : vector<1x2000x128xf32> to vector<2000x128xf32>
    %get3A_4 = arith.constant 0 : index
    %get3A_5 = arith.constant 0 : index
    %get3A_6 = arith.constant 0 : index
    %get3A_7 = vector.load %arg3[%get3A_4, %get3A_5, %get3A_6] : memref<1x2000x128xf32, #tpu.memory_space<vmem>>, vector<1x2000x128xf32>
    %get3A_8 = vector.shape_cast %get3A_7 : vector<1x2000x128xf32> to vector<2000x128xf32>
    %add3A = arith.addf %get3A_3, %get3A_8 : vector<2000x128xf32>
    %get3A_9 = arith.constant 0 : index
    %get3A_10 = arith.constant 0 : index
    %get3A_11 = vector.load %arg1[%get3A_9, %get3A_10] : memref<2000x128xf32, #tpu.memory_space<vmem>>, vector<2000x128xf32>
    %get3A_12 = arith.constant 0 : index
    %get3A_13 = arith.constant 0 : index
    %get3A_14 = vector.load %arg4[%get3A_12, %get3A_13] : memref<128x128xf32, #tpu.memory_space<vmem>>, vector<128x128xf32>
    %dot_general3A = arith.constant dense<0.000000e+00> : vector<2000x128xf32>
    %dot_general3A_15 = tpu.matmul %get3A_11, %get3A_14, %dot_general3A {dimension_numbers = #tpu.dot_dimension_numbers<[1], [0], [0], [1], [0, 0, 1, 1], [], []>, transpose_lhs_hint = false} : vector<2000x128xf32>, vector<128x128xf32>, vector<2000x128xf32> -> vector<2000x128xf32>
    %get3A_16 = arith.constant 0 : index
    %get3A_17 = arith.constant 0 : index
    %get3A_18 = vector.load %arg5[%get3A_16, %get3A_17] : memref<128x128xf32, #tpu.memory_space<vmem>>, vector<128x128xf32>
    %dot_general3A_19 = arith.constant dense<0.000000e+00> : vector<2000x128xf32>
    %dot_general3A_20 = tpu.matmul %add3A, %get3A_18, %dot_general3A_19 {dimension_numbers = #tpu.dot_dimension_numbers<[1], [0], [0], [1], [0, 0, 1, 1], [], []>, transpose_lhs_hint = false} : vector<2000x128xf32>, vector<128x128xf32>, vector<2000x128xf32> -> vector<2000x128xf32>
    %add3A_21 = arith.addf %dot_general3A_15, %dot_general3A_20 : vector<2000x128xf32>
    %get3A_22 = arith.constant 0 : index
    %get3A_23 = arith.constant 0 : index
    %get3A_24 = vector.load %arg6[%get3A_22, %get3A_23] : memref<1x128xf32, #tpu.memory_space<vmem>>, vector<1x128xf32>
    %add3A_25 = vector.broadcast %get3A_24 : vector<1x128xf32> to vector<2000x128xf32>
    %add3A_26 = arith.addf %add3A_21, %add3A_25 : vector<2000x128xf32>
    %max3A = arith.constant 0.000000e+00 : f32
    %max3A_27 = vector.broadcast %max3A : f32 to vector<2000x128xf32>
    %max3A_28 = arith.maximumf %add3A_26, %max3A_27 : vector<2000x128xf32>
    %get3A_29 = arith.constant 0 : index
    %get3A_30 = arith.constant 0 : index
    %get3A_31 = vector.load %arg7[%get3A_29, %get3A_30] : memref<128x128xf32, #tpu.memory_space<vmem>>, vector<128x128xf32>
    %dot_general3A_32 = arith.constant dense<0.000000e+00> : vector<2000x128xf32>
    %dot_general3A_33 = tpu.matmul %max3A_28, %get3A_31, %dot_general3A_32 {dimension_numbers = #tpu.dot_dimension_numbers<[1], [0], [0], [1], [0, 0, 1, 1], [], []>, transpose_lhs_hint = false} : vector<2000x128xf32>, vector<128x128xf32>, vector<2000x128xf32> -> vector<2000x128xf32>
    %get3A_34 = arith.constant 0 : index
    %get3A_35 = arith.constant 0 : index
    %get3A_36 = vector.load %arg8[%get3A_34, %get3A_35] : memref<1x128xf32, #tpu.memory_space<vmem>>, vector<1x128xf32>
    %add3A_37 = vector.broadcast %get3A_36 : vector<1x128xf32> to vector<2000x128xf32>
    %add3A_38 = arith.addf %dot_general3A_33, %add3A_37 : vector<2000x128xf32>
    %tanh3A = math.tanh %add3A_38 : vector<2000x128xf32>
    %swap3A = arith.constant 0 : index
    %swap3A_39 = arith.constant 0 : index
    %swap3A_40 = vector.load %arg9[%swap3A, %swap3A_39] : memref<2000x128xf32, #tpu.memory_space<vmem>>, vector<2000x128xf32>
    tpu.vector_store %arg9[%swap3A, %swap3A_39], %tanh3A {strides = array<i32>} : memref<2000x128xf32, #tpu.memory_space<vmem>>, vector<2000x128xf32>,
    return
  }
  func.func @transform_0(%arg0: i32) -> (i32, i32) {
    %c0_i32 = arith.constant 0 : i32
    %c0_i32_0 = arith.constant 0 : i32
    return %arg0, %c0_i32 : i32, i32
  }
  func.func @transform_1(%arg0: i32) -> (i32, i32, i32) {
    %c0_i32 = arith.constant 0 : i32
    %c0_i32_0 = arith.constant 0 : i32
    %c0_i32_1 = arith.constant 0 : i32
    return %c0_i32, %arg0, %c0_i32_0 : i32, i32, i32
  }
  func.func @transform_2(%arg0: i32) -> (i32, i32, i32) {
    %c1_i32 = arith.constant 1 : i32
    %c0_i32 = arith.constant 0 : i32
    %c0_i32_0 = arith.constant 0 : i32
    return %c1_i32, %arg0, %c0_i32 : i32, i32, i32
  }
  func.func @transform_3(%arg0: i32) -> (i32, i32) {
    %c0_i32 = arith.constant 0 : i32
    %c0_i32_0 = arith.constant 0 : i32
    %c0_i32_1 = arith.constant 0 : i32
    return %c0_i32, %c0_i32_0 : i32, i32
  }
  func.func @transform_4(%arg0: i32) -> (i32, i32) {
    %c0_i32 = arith.constant 0 : i32
    %c0_i32_0 = arith.constant 0 : i32
    %c0_i32_1 = arith.constant 0 : i32
    return %c0_i32, %c0_i32_0 : i32, i32
  }
  func.func @transform_5(%arg0: i32) -> (i32, i32) {
    %c0_i32 = arith.constant 0 : i32
    %c0_i32_0 = arith.constant 0 : i32
    %c0_i32_1 = arith.constant 0 : i32
    return %c0_i32, %c0_i32_0 : i32, i32
  }
  func.func @transform_6(%arg0: i32) -> (i32, i32) {
    %c0_i32 = arith.constant 0 : i32
    %c0_i32_0 = arith.constant 0 : i32
    %c0_i32_1 = arith.constant 0 : i32
    return %c0_i32, %c0_i32_0 : i32, i32
  }
  func.func @transform_7(%arg0: i32) -> (i32, i32) {
    %c0_i32 = arith.constant 0 : i32
    %c0_i32_0 = arith.constant 0 : i32
    %c0_i32_1 = arith.constant 0 : i32
    return %c0_i32, %c0_i32_0 : i32, i32
  }
  func.func @transform_8(%arg0: i32) -> (i32, i32) {
    %c0_i32 = arith.constant 0 : i32
    %c0_i32_0 = arith.constant 0 : i32
    return %arg0, %c0_i32 : i32, i32
  }
}

</mosaic_0001>

<sc_bundles>
// kernel: kernel.5.cloned.1.call-start
scs
__scs_entry_jumppad:
0x0: {  	(pc) =	sbr.rel $0x88, $3  }
0x1: {  	(tag) =	ssettag $0x0;
	lr =	simm.s32 $0x1  }
0x2: {  	[smem:$0x3F95] =	sst lr;
	_ =	strace $0xD0000000  }
0x3: {  	_ = 	snop  }
0x4: {  	_ = 	snop  }
0x5: {  	_ = 	snop  }
0x6: {  	_ = 	snop  }
0x7: {  	_ = 	snop  }
__scs_overlays_trampoline_lowered:
0x8: {  	[smem:$0x3FA4] =	sst s0  }
0x9: {  	[smem:$0x3FA5] =	sst s1  }
0xa: {  	[smem:$0x3FA6] =	sst s2  }
0xb: {  	[smem:$0x3FA7] =	sst s3  }
0xc: {  	[smem:$0x3FA8] =	sst s4  }
0xd: {  	[smem:$0x3FA9] =	sst s5  }
0xe: {  	[smem:$0x3FAA] =	sst s6  }
0xf: {  	[smem:$0x3FAB] =	sst s7  }
0x10: {  	[smem:$0x3FAC] =	sst s8  }
0x11: {  	[smem:$0x3FAD] =	sst s9;
	s0 =	simm.s32 @!p0 $0x0  }
0x12: {  	s1 =	sld [smem:$0x3F93];
	s0 =	simm.s32 @p0 $0x1  }
0x13: {  	[smem:$0x3FAE] =	sst s0;
	s0 =	simm.s32 @!p1 $0x0  }
0x14: {  	s2 =	sld [smem:$0x3F92];
	s0 =	simm.s32 @p1 $0x1  }
0x15: {  	[smem:$0x3FAF] =	sst s0;
	s0 =	simm.s32 @!p2 $0x0  }
0x16: {  	s3 =	sld [smem:$0x3FDB];
	s0 =	simm.s32 @p2 $0x1  }
0x17: {  	s4 =	simm.s32 $0x1BF5;
	[smem:$0x3FB1] =	sst s0  }
0x18: {  	s0 =	sld [smem:$0x3F94];
	_ =	swait.ge [sflag:s4], $0x0  }
0x19: {  	s7 =	sld [smem:$0x3F95]  }
0x1a: {  	s8 =	sadd.s32 $0xFFFFE003, lr  }
0x1b: {  	s9 =	sadd.s32 $0xFFFFFEF7, lr;
	s5 =	simm.s32 $0xFFFFFFFF;
	p2 =	slt.u32 s8, $0xFFFFF086  }
0x1c: {  	p1 =	slt.u32 s9, $0xF7A;
	s5 =	simm.s32 @!p2 $0x0  }
0x1d: {  	s5 =	simm.s32 @p1 $0x1;
	p0 =	seq.s32 s7, s2  }
0x1e: {  	s7 =	smul.u32 @!p0 $0xF7A, s2;
	p2 =	seq.s32 @!p0 s5, $0x0  }
0x1f: {  	s9 =	smul.u32 $0xF7A, s1;
	s8 =	simm.s32 @!p0 $0x1BF5;
	p2 =	por !p2, p0  }
0x20: {  	[sflag:s8] =	ssyncset.s32 @!p0 $0xFFFFF086;
	s6 =	sadd.s32 @!p0 s3, s7;
	s7 =	simm.s32 @!p0 $0x108  }
0x21: {  	s3 =	sadd.s32 s3, s9;
	s6 =	sadd.s32 @!p0 $0x88, s6;
	s7 =	simm.s32 @p2 $0x1082  }
0x22: {  	[simem:s7], [sflag:s8] =	dma.local @!p0 [hbm:s6], $0xF7A  }
0x23: {  	s9 =	sor.u32 $0xD0000000, s2;
	s6 =	simm.s32 $0x108;
	_ =	swait.ge @!p0 [sflag:s8], $0x0  }
0x24: {  	s3 =	sadd.s32 $0x88, s3;
	s6 =	simm.s32 @!p1 $0x1082;
	[sflag:s4] =	ssyncset.s32 $0xFFFFF086  }
0x25: {  	[simem:s6], [sflag:s4] =	dma.local [hbm:s3], $0xF7A  }
0x26: {  	[smem:$0x3F95] =	sst s1;
	(tag) =	ssettag s2;
	_ =	strace s9  }
0x27: {  	s1 =	sld [smem:$0x3FA5]  }
0x28: {  	s2 =	sld [smem:$0x3FA6]  }
0x29: {  	s4 =	sld [smem:$0x3FA8]  }
0x2a: {  	p0 =	seq.s32 s5, $0x0;
	s5 =	sld [smem:$0x3FA9]  }
0x2b: {  	s6 =	sld [smem:$0x3FAA]  }
0x2c: {  	s7 =	sld [smem:$0x3FAB]  }
0x2d: {  	s3 =	simm.s32 $0x108;
	s8 =	sld [smem:$0x3FAC]  }
0x2e: {  	s3 =	simm.s32 @!p0 $0x1082;
	s9 =	sld [smem:$0x3FAD]  }
0x2f: {  	lr =	sadd.s32 s0, s3;
	s0 =	sld [smem:$0x3FA4]  }
0x30: {  	s3 =	sld [smem:$0x3FA7]  }
0x31: {  	[smem:$0x3FB0] =	sst s10  }
0x32: {  	s10 =	sld [smem:$0x3FAE];
	_ =	sdelay $0x3  }
0x33: {  	p0 =	seq.s32 s10, $0x1;
	s10 =	sld [smem:$0x3FB0];
	_ =	sdelay $0x3  }
0x34: {  	[smem:$0x3FB0] =	sst s10  }
0x35: {  	s10 =	sld [smem:$0x3FAF];
	_ =	sdelay $0x3  }
0x36: {  	p1 =	seq.s32 s10, $0x1;
	s10 =	sld [smem:$0x3FB0];
	_ =	sdelay $0x3  }
0x37: {  	[smem:$0x3FB0] =	sst s10  }
0x38: {  	s10 =	sld [smem:$0x3FB1]  }
0x39: {  	_ = 	snop;
	(pc) =	sbr.ind lr, $3  }
0x3a: {  	_ = 	snop  }
0x3b: {  	_ = 	snop  }
0x3c: {  	p2 =	seq.s32 s10, $0x1;
	s10 =	sld [smem:$0x3FB0]  }
0x3d: {  	_ =	shalt  }
0x3e: {  	_ =	shalt  }
0x3f: {  	_ =	shalt  }
0x40: {  	_ =	shalt  }
0x41: {  	_ =	shalt  }
0x42: {  	_ =	shalt  }
0x43: {  	_ =	shalt  }
0x44: {  	_ =	shalt  }
0x45: {  	_ =	shalt  }
0x46: {  	_ =	shalt  }
0x47: {  	_ =	shalt  }
0x48: {  	_ =	shalt  }
0x49: {  	_ =	shalt  }
0x4a: {  	_ =	shalt  }
0x4b: {  	_ =	shalt  }
0x4c: {  	_ =	shalt  }
0x4d: {  	_ =	shalt  }
0x4e: {  	_ =	shalt  }
0x4f: {  	_ =	shalt  }
0x50: {  	_ =	shalt  }
0x51: {  	_ =	shalt  }
0x52: {  	_ =	shalt  }
0x53: {  	_ =	shalt  }
0x54: {  	_ =	shalt  }
0x55: {  	_ =	shalt  }
0x56: {  	_ =	shalt  }
0x57: {  	_ =	shalt  }
0x58: {  	_ =	shalt  }
0x59: {  	_ =	shalt  }
0x5a: {  	_ =	shalt  }
0x5b: {  	_ =	shalt  }
0x5c: {  	_ =	shalt  }
0x5d: {  	_ =	shalt  }
0x5e: {  	_ =	shalt  }
0x5f: {  	_ =	shalt  }
0x60: {  	_ =	shalt  }
0x61: {  	_ =	shalt  }
0x62: {  	_ =	shalt  }
0x63: {  	_ =	shalt  }
0x64: {  	_ =	shalt  }
0x65: {  	_ =	shalt  }
0x66: {  	_ =	shalt  }
0x67: {  	_ =	shalt  }
0x68: {  	_ =	shalt  }
0x69: {  	_ =	shalt  }
0x6a: {  	_ =	shalt  }
0x6b: {  	_ =	shalt  }
0x6c: {  	_ =	shalt  }
0x6d: {  	_ =	shalt  }
0x6e: {  	_ =	shalt  }
0x6f: {  	_ =	shalt  }
0x70: {  	_ =	shalt  }
0x71: {  	_ =	shalt  }
0x72: {  	_ =	shalt  }
0x73: {  	_ =	shalt  }
0x74: {  	_ =	shalt  }
0x75: {  	_ =	shalt  }
0x76: {  	_ =	shalt  }
0x77: {  	_ =	shalt  }
0x78: {  	_ =	shalt  }
0x79: {  	_ =	shalt  }
0x7a: {  	_ =	shalt  }
0x7b: {  	_ =	shalt  }
0x7c: {  	_ =	shalt  }
0x7d: {  	_ =	shalt  }
0x7e: {  	_ =	shalt  }
0x7f: {  	_ =	shalt  }
0x80: {  	_ =	shalt  }
0x81: {  	_ =	shalt  }
0x82: {  	_ =	shalt  }
0x83: {  	_ =	shalt  }
0x84: {  	_ =	shalt  }
0x85: {  	_ =	shalt  }
0x86: {  	_ =	shalt  }
0x87: {  	_ =	shalt  }
.Lfunc_end0:
.L_simem_size_0:
called_computation_lowered:
.L_overlay_start_0:
0x88: {  	s2 =	sld [smem:$0x3FD9]  }
0x89: {  	s3 =	sld [smem:$0x3FFE];
	_ =	sdelay $0x1  }
0x8a: {  	s1 =	srdreg.scid  }
0x8b: {  	s0 =	sand.u32 $0x1, s1  }
0x8c: {  	s17 =	sshll.u32 s0, $0xA;
	s2 =	sadd.s32 s3, s2  }
0x8d: {  	s2 =	sadd.s32 s2, s17  }
0x8e: {  	[smem:$0x3FBC] =	sst s2  }
0x8f: {  	_ = 	snop  }
0x90: {  	s2 =	sld [smem:$0x3FC8]  }
0x91: {  	s18 =	sld [smem:$0x3FD0];
	(tm) =	ssettm $0x1  }
0x92: {  	s4 =	sld [smem:$0x3FFB];
	_ =	sdelay $0x3  }
0x93: {  	_ =	strace s4  }
0x94: {  	s4 =	sld [smem:$0x3FFC];
	_ =	sdelay $0x3  }
0x95: {  	_ =	strace s4  }
0x96: {  	s4 =	sld [smem:$0x3FFD];
	_ =	sdelay $0x3  }
0x97: {  	_ =	strace s4  }
0x98: {  	_ =	strace $0x8FFFFFFF  }
0x99: {  	s19 =	sld [smem:$0x3FDB];
	_ =	sdelay $0x1  }
0x9a: {  	s5 =	simm.s32 $_scs_section_size  }
0x9b: {  	s6 =	simm.s32 $_size__tile_overlayer_lowered;
	s7 =	simm.s32 $_tile_overlayer_lowered  }
0x9c: {  	s22 =	simm.s32 $0x1BFF;
	s21 =	sshll.u32 s7, $0x1;
	s4 =	sadd.s32 s5, s19  }
0x9d: {  	s8 =	simm.s32 $0x0;
	s20 =	sshll.u32 s6, $0x1;
	s6 =	sadd.s32 s21, s4  }
0x9e: {  	[timem:s8], [sflag:s22] =	dma.local [hbm:s6], s20  }
0x9f: {  	_ =	swait.ge [sflag:s22], s20  }
0xa0: {  	s5 =	ssub.s32 $0x0, s20;
	[sflag:s22] =	ssyncset.done $0x0  }
0xa1: {  	[sflag:s22] =	ssyncadd.s32 s5;
	_ =	sdelay $0x1  }
0xa2: {  	s23 =	simm.s32 $0x1B8B  }
0xa3: {  	_ =	swait.ge [sflag:s23], $0x1  }
0xa4: {  	[sflag:s23] =	ssyncset.done $0x0  }
0xa5: {  	s25 =	simm.s32 $0x1B8E;
	s24 =	sld [smem:$0x3FFE];
	[sflag:s23] =	ssyncadd.s32 $0xFFFFFFFF  }
0xa6: {  	s26 =	simm.s32 $execute0_lowered;
	[smem:$0x3FD2] =	sst s25  }
0xa7: {  	s6 =	sshll.u32 s26, $0x1;
	_ =	strace $0x80000046;
	[dreg:$0x1] =	wrdreg $0xFFFFFFFF  }
0xa8: {  	s28 =	simm.s32 $_size_execute0_lowered;
	s4 =	sadd.s32 s4, s6;
	[dreg:$0x0] =	wrdreg $0x0  }
0xa9: {  	s6 =	sshll.u32 s28, $0x1;
	[dreg:$0x2] =	wrdreg s4  }
0xaa: {  	[dreg:$0x3] =	wrdreg s6  }
0xab: {  	[dreg:$0x4] =	wrdreg $0xC0  }
0xac: {  	_ =	task [dreg:s8], $0x5FFFF  }
0xad: {  	[dreg:$0x1] =	wrdreg $0xFFFFFFFF  }
0xae: {  	[dreg:$0x0] =	wrdreg $0x60  }
0xaf: {  	[dreg:$0x2] =	wrdreg s18  }
0xb0: {  	[dreg:$0x3] =	wrdreg s2  }
0xb1: {  	[dreg:$0x4] =	wrdreg s24  }
0xb2: {  	[dreg:$0x5] =	wrdreg $0x82000  }
0xb3: {  	[dreg:$0x6] =	wrdreg $0x9  }
0xb4: {  	_ =	task.clear_ibuf [dreg:s8], $0x7FFFF;
	_ =	strace $0x90000046  }
0xb5: {  	s29 =	simm.s32 $0x9;
	_ =	strace $0x80000048  }
0xb6: {  	_ =	swait.ge [sflag:s29], $0x1  }
0xb7: {  	[sflag:s29] =	ssyncadd.s32 $0xFFFFFFFF  }
0xb8: {  	_ =	strace $0x90000048  }
0xb9: {  	_ =	sfence  }
0xba: {  	s30 =	sld [smem:$0x0];
	_ =	sdelay $0x2  }
0xbb: {  	s31 =	sshll.u32 s1, $0xD;
	s1 =	sshrl.u32 s1, $0x2  }
0xbc: {  	s3 =	sand.u32 $0x4000, s31;
	s1 =	sadd.s32 s1, s30  }
0xbd: {  	s0 =	sor.u32 s3, s0;
	s1 =	sshll.u32 s1, $0x11  }
0xbe: {  	s0 =	sor.u32 s1, s0  }
0xbf: {  	s0 =	sadd.s32 $0x8F2B, s0  }
0xc0: {  	[sflag:s0] =	ssyncadd.remote.s32 $0x1  }
0xc1: {  	_ =	sfence.sel $0xFFFF  }
0xc2: {  	[dreg:$0x0] =	wrdreg $0xFFFFFFFF;
	(pc) =	sbr.abs _section_cstart, $3  }
0xc3: {  	[dreg:$0x1] =	wrdreg $0xFFFFFFFF  }
0xc4: {  	_ =	task.clear_ibuf [dreg:s8], $0x2FFFF;
	_ =	strace $0x9FFFFFFF  }
0xc5: {  	(tm) =	ssettm $0x7FFFFFFF  }
tec
execute0_lowered:
.L_overlay_start_1:
0x0: {  	(tag) =	ssettag $0x1  }
0x1: {  	s1 =	rddreg [dreg:$0x0]  }
0x2: {  	s14 =	rddreg [dreg:$0x1]  }
0x3: {  	s6 =	rddreg [dreg:$0x2]  }
0x4: {  	s0 =	srdreg.scid;
	s3 =	rddreg [dreg:$0x3]  }
0x5: {  	s2 =	rddreg [dreg:$0x4];
	s4 =	simm.s32 $0x0;
	s17 =	simm.s32 $0x200  }
0x6: {  	s18 =	simm.s32 $0x5;
	s19 =	simm.s32 $0x100;
	s20 =	simm.s32 $0x1  }
0x7: {  	s21 =	simm.s32 $0x80;
	s22 =	simm.s32 $0x2;
	s7 =	sand.u32 $0x1, s0  }
0x8: {  	s28 =	simm.s32 $0x0;
	s0 =	stileid.u32;
	s5 =	smul.u32 $0x13C000, s7  }
0x9: {  	[smem:$0x7FF] =	sst s4;
	s15 =	sadd.s32 $0x20, s14;
	s8 =	smul.u32 $0x13C00, s0  }
0xa: {  	s23 =	smul.u32 $0x4F000, s0;
	_ =	strace $0x80000047;
	s24 =	ssub.s32 $0x2, s7  }
0xb: {  	s25 =	sshll.u32 s7, $0x4;
	s29 =	sshll.u32 s0, $0x5;
	s30 =	smul.u32 $0x4E0, s7  }
0xc: {  	s13 =	sshll.u32 s7, $0x6;
	s16 =	smul.u32 $0x4E, s0;
	p0 =	sgt.u32 s0, $0x1  }
0xd: {  	s9 =	sshrl.u32 s24, $0x1;
	s11 =	sor.u32 s0, s25;
	s25 =	simm.s32 $0x4  }
0xe: {  	s5 =	sadd.s32 s8, s5;
	s8 =	sshrl.u32 s23, $0x2;
	s12 =	ssub.s32 s24, s9  }
0xf: {  	s26 =	smul.u32 $0x9C0, s11;
	s9 =	sadd.s32 s29, s14;
	s31 =	sadd.s32 s16, s30  }
0x10: {  	s23 =	simm.s32 $0x4200;
	s24 =	simm.s32 $0x3;
	s5 =	sshrl.u32 s5, $0x3  }
0x11: {  	s9 =	sadd.s32 s13, s9;
	s11 =	smax.u32 s12, $0x1;
	s16 =	sshll.u32 s31, $0x5  }
0x12: {  	s10 =	sadd.s32 s5, s6;
	s5 =	sadd.s32 s8, s3;
	s7 =	sadd.s32 s14, s26  }
0x13: {  	s8 =	sadd.s32 s26, s15;
	s9 =	sadd.s32 $0x13800, s9;
	s15 =	sadd.s32 s15, s16  }
0x14: {  	s16 =	sadd.s32 s14, s16;
	s26 =	simm.s32 $0x180;
	s6 =	sadd.s32 $0x10000, s5  }
0x15: {  	s10 =	sadd.s32 $0x2200, s10;
	s12 =	sadd.s32 $0x4000, s5;
	s13 =	sadd.s32 $0x8000, s5  }
0x16: {  	v0 =	vimm.f32 $0.0e+00;
	s14 =	sadd.s32 $0xC000, s5;
	s15 =	sadd.s32 $0x40, s15;
	s16 =	sadd.s32 $0x40, s16  }
.LBB2_1:
0x17: {  	s29 =	simm.s32 $0x0;
	s30 =	simm.s32 $0x200  }
.LBB2_2:
0x18: {  	p1 =	sne.s32 s30, $0xFE00;
	[tilespmem:s29+$0x270] =	vst v0  }
0x19: {  	[tilespmem:s29+$0x200] =	vst v0  }
0x1a: {  	[tilespmem:s29+$0x210] =	vst v0  }
.Ltmp0:
0x1b: {  	[tilespmem:s29+$0x220] =	vst v0;
	(pc) =	sbr.rel @p1 .LBB2_2-.Ltmp0, $4  }
0x1c: {  	[tilespmem:s29+$0x230] =	vst v0  }
0x1d: {  	[tilespmem:s29+$0x240] =	vst v0  }
0x1e: {  	[tilespmem:s29+$0x250] =	vst v0  }
0x1f: {  	[tilespmem:s29+$0x260] =	vst v0;
	s29 =	sshra.s32 s30, $0x2;
	s30 =	sadd.s32 $0x200, s30  }
0x20: {  	[tilespmem:s29+$0x270] =	vst v0  }
0x21: {  	[tilespmem:s29+$0x200] =	vst v0  }
0x22: {  	[tilespmem:s29+$0x210] =	vst v0  }
0x23: {  	[tilespmem:s29+$0x220] =	vst v0  }
0x24: {  	[tilespmem:s29+$0x230] =	vst v0  }
0x25: {  	[tilespmem:s29+$0x240] =	vst v0  }
0x26: {  	[tilespmem:s29+$0x250] =	vst v0  }
0x27: {  	[tilespmem:s29+$0x260] =	vst v0  }
0x28: {  	[spmem:s5] =	stream.linear.scatter [tilespmem:s17], [sflag:$0x5], $0x4000, $0x38;
	[tilespmem:$0x1BE00] =	vst v63  }
0x29: {  	_ =	swait.ge [sflag:s18], $0x4000  }
0x2a: {  	[sflag:s18] =	ssyncset.done $0x0  }
0x2b: {  	[sflag:s18] =	ssyncadd.s32 $0xFFFFC000  }
0x2c: {  	[spmem:s12] =	stream.linear.scatter [tilespmem:s17], [sflag:$0x5], $0x4000, $0x38;
	[tilespmem:$0x1BE00] =	vst v63  }
0x2d: {  	_ =	swait.ge [sflag:s18], $0x4000  }
0x2e: {  	[sflag:s18] =	ssyncset.done $0x0  }
0x2f: {  	[sflag:s18] =	ssyncadd.s32 $0xFFFFC000  }
0x30: {  	[spmem:s13] =	stream.linear.scatter [tilespmem:s17], [sflag:$0x5], $0x4000, $0x38;
	[tilespmem:$0x1BE00] =	vst v63  }
0x31: {  	_ =	swait.ge [sflag:s18], $0x4000  }
0x32: {  	[sflag:s18] =	ssyncset.done $0x0  }
0x33: {  	[sflag:s18] =	ssyncadd.s32 $0xFFFFC000  }
0x34: {  	[spmem:s14] =	stream.linear.scatter [tilespmem:s17], [sflag:$0x5], $0x4000, $0x38;
	[tilespmem:$0x1BE00] =	vst v63  }
0x35: {  	_ =	swait.ge [sflag:s18], $0x4000  }
0x36: {  	[sflag:s18] =	ssyncset.done $0x0  }
0x37: {  	[sflag:s18] =	ssyncadd.s32 $0xFFFFC000  }
0x38: {  	[spmem:s6] =	stream.linear.scatter [tilespmem:s17], [sflag:$0x5], $0x3C00, $0x38;
	[tilespmem:$0x1BE00] =	vst v63  }
0x39: {  	_ =	swait.ge [sflag:s18], $0x3C00  }
0x3a: {  	[sflag:s18] =	ssyncset.done $0x0  }
0x3b: {  	s29 =	simm.s32 $0x0;
	[sflag:s18] =	ssyncadd.s32 $0xFFFFC400  }
0x3c: {  	[tilespmem:s29], [sflag:$0x1] =	stream.linear.gather [hbm4b:s7+s29], $0x100, $0x38;
	[tilespmem:$0x1BE00] =	vst v63  }
0x3d: {  	_ = 	snop  }
0x3e: {  	[tilespmem:s19], [sflag:$0x2] =	stream.linear.gather [hbm4b:s8+s29], $0x100, $0x38;
	[tilespmem:$0x1BE00] =	vst v63  }
0x3f: {  	[bflag:$0x0] =	sbarrier.arrive $0xFFFF  }
0x40: {  	_ =	swait.ge [sflag:s20], $0x100  }
0x41: {  	[sflag:s20] =	ssyncset.done $0x0  }
0x42: {  	[sflag:s20] =	ssyncadd.s32 $0xFFFFFF00  }
0x43: {  	[tilespmem:s17], [sflag:$0x3] =	stream.indirect.gather [hbm4b:s1+s21], $0x80, s29, s21, $0xb8;
	[tilespmem:$0x1BE00] =	vst v63  }
0x44: {  	_ =	swait.ge [sflag:s22], $0x100  }
0x45: {  	[sflag:s22] =	ssyncset.done $0x0  }
0x46: {  	[sflag:s22] =	ssyncadd.s32 $0xFFFFFF00  }
0x47: {  	[tilespmem:s23], [sflag:$0x4] =	stream.indirect.gather [hbm4b:s1+s21], $0x80, s19, s21, $0xb8;
	[tilespmem:$0x1BE00] =	vst v63  }
0x48: {  	_ =	swait.ge [sflag:s24], $0x4000  }
0x49: {  	[sflag:s24] =	ssyncset.done $0x0  }
0x4a: {  	[sflag:s24] =	ssyncadd.s32 $0xFFFFC000  }
0x4b: {  	[spmem:s3] =	stream.indirect.scatter.add.f32 [tilespmem:s17], [sflag:$0x5], $0x80, s21, s21, $0xb8;
	[tilespmem:$0x1BE00] =	vst v63  }
0x4c: {  	_ =	swait.ge [sflag:s18], $0x4000  }
0x4d: {  	[sflag:s18] =	ssyncset.done $0x0  }
0x4e: {  	s29 =	sadd.s32 $0x0, s16;
	[sflag:s18] =	ssyncadd.s32 $0xFFFFC000  }
0x4f: {  	[tilespmem:s4], [sflag:$0x1] =	stream.linear.gather [hbm4b:s29+s4], $0x100, $0x38;
	[tilespmem:$0x1BE00] =	vst v63  }
0x50: {  	_ =	swait.ge [sflag:s20], $0x100  }
0x51: {  	[sflag:s20] =	ssyncset.done $0x0  }
0x52: {  	[sflag:s20] =	ssyncadd.s32 $0xFFFFFF00  }
0x53: {  	[tilespmem:s17], [sflag:$0x3] =	stream.indirect.gather [hbm4b:s1+s21], $0x80, s4, s21, $0xb8;
	[tilespmem:$0x1BE00] =	vst v63  }
0x54: {  	_ =	swait.ge [sflag:s25], $0x4000  }
0x55: {  	[sflag:s25] =	ssyncset.done $0x0  }
0x56: {  	[sflag:s25] =	ssyncadd.s32 $0xFFFFC000  }
0x57: {  	[spmem:s3] =	stream.indirect.scatter.add.f32 [tilespmem:s23], [sflag:$0x5], $0x80, s26, s21, $0xb8;
	[tilespmem:$0x1BE00] =	vst v63  }
0x58: {  	_ =	swait.ge [sflag:s18], $0x4000  }
0x59: {  	[sflag:s18] =	ssyncset.done $0x0  }
0x5a: {  	s30 =	sadd.s32 $0x0, s15;
	s29 =	simm.s32 $0x40;
	[sflag:s18] =	ssyncadd.s32 $0xFFFFC000  }
.LBB2_4:
0x5b: {  	[tilespmem:s19], [sflag:$0x2] =	stream.linear.gather [hbm4b:s30+s4], $0x100, $0x38;
	[tilespmem:$0x1BE00] =	vst v63  }
0x5c: {  	s30 =	smov.u32 s29  }
0x5d: {  	p1 =	sne.s32 s29, $0x940;
	s29 =	sadd.s32 $0x40, s29;
	_ =	swait.ge [sflag:s22], $0x100  }
0x5e: {  	[sflag:s22] =	ssyncset.done $0x0  }
0x5f: {  	[sflag:s22] =	ssyncadd.s32 $0xFFFFFF00  }
0x60: {  	[tilespmem:s23], [sflag:$0x4] =	stream.indirect.gather [hbm4b:s1+s21], $0x80, s19, s21, $0xb8;
	[tilespmem:$0x1BE00] =	vst v63  }
0x61: {  	_ =	swait.ge [sflag:s24], $0x4000  }
0x62: {  	[sflag:s24] =	ssyncset.done $0x0  }
0x63: {  	[sflag:s24] =	ssyncadd.s32 $0xFFFFC000  }
0x64: {  	[spmem:s3] =	stream.indirect.scatter.add.f32 [tilespmem:s17], [sflag:$0x5], $0x80, s21, s21, $0xb8;
	[tilespmem:$0x1BE00] =	vst v63  }
0x65: {  	_ =	swait.ge [sflag:s18], $0x4000  }
0x66: {  	[sflag:s18] =	ssyncset.done $0x0  }
0x67: {  	s31 =	sadd.s32 s30, s16;
	[sflag:s18] =	ssyncadd.s32 $0xFFFFC000  }
0x68: {  	[tilespmem:s4], [sflag:$0x1] =	stream.linear.gather [hbm4b:s31+s4], $0x100, $0x38;
	[tilespmem:$0x1BE00] =	vst v63  }
0x69: {  	_ =	swait.ge [sflag:s20], $0x100  }
0x6a: {  	[sflag:s20] =	ssyncset.done $0x0  }
0x6b: {  	[sflag:s20] =	ssyncadd.s32 $0xFFFFFF00  }
0x6c: {  	[tilespmem:s17], [sflag:$0x3] =	stream.indirect.gather [hbm4b:s1+s21], $0x80, s4, s21, $0xb8;
	[tilespmem:$0x1BE00] =	vst v63  }
0x6d: {  	_ =	swait.ge [sflag:s25], $0x4000  }
0x6e: {  	[sflag:s25] =	ssyncset.done $0x0  }
.Ltmp1:
0x6f: {  	[sflag:s25] =	ssyncadd.s32 $0xFFFFC000;
	(pc) =	sbr.rel @p1 .LBB2_4-.Ltmp1, $4  }
0x70: {  	[spmem:s3] =	stream.indirect.scatter.add.f32 [tilespmem:s23], [sflag:$0x5], $0x80, s26, s21, $0xb8;
	[tilespmem:$0x1BE00] =	vst v63  }
0x71: {  	_ =	swait.ge [sflag:s18], $0x4000  }
0x72: {  	[sflag:s18] =	ssyncset.done $0x0  }
0x73: {  	s30 =	sadd.s32 s30, s15;
	[sflag:s18] =	ssyncadd.s32 $0xFFFFC000  }
0x74: {  	[tilespmem:s19], [sflag:$0x2] =	stream.linear.gather [hbm4b:s30+s4], $0x100, $0x38;
	[tilespmem:$0x1BE00] =	vst v63  }
0x75: {  	_ =	swait.ge [sflag:s22], $0x100  }
0x76: {  	[sflag:s22] =	ssyncset.done $0x0  }
0x77: {  	[sflag:s22] =	ssyncadd.s32 $0xFFFFFF00  }
0x78: {  	[tilespmem:s23], [sflag:$0x4] =	stream.indirect.gather [hbm4b:s1+s21], $0x80, s19, s21, $0xb8;
	[tilespmem:$0x1BE00] =	vst v63  }
0x79: {  	_ =	swait.ge [sflag:s24], $0x4000  }
0x7a: {  	[sflag:s24] =	ssyncset.done $0x0  }
0x7b: {  	[sflag:s24] =	ssyncadd.s32 $0xFFFFC000  }
0x7c: {  	[spmem:s3] =	stream.indirect.scatter.add.f32 [tilespmem:s17], [sflag:$0x5], $0x80, s21, s21, $0xb8;
	[tilespmem:$0x1BE00] =	vst v63  }
0x7d: {  	_ =	swait.ge [sflag:s18], $0x4000  }
0x7e: {  	[sflag:s18] =	ssyncset.done $0x0  }
0x7f: {  	[sflag:s18] =	ssyncadd.s32 $0xFFFFC000  }
0x80: {  	_ =	swait.ge [sflag:s25], $0x4000  }
0x81: {  	[sflag:s25] =	ssyncset.done $0x0  }
0x82: {  	[sflag:s25] =	ssyncadd.s32 $0xFFFFC000  }
0x83: {  	[spmem:s3] =	stream.indirect.scatter.add.f32 [tilespmem:s23], [sflag:$0x5], $0x80, s26, s21, $0xb8;
	[tilespmem:$0x1BE00] =	vst v63  }
0x84: {  	_ =	swait.ge [sflag:s18], $0x4000  }
0x85: {  	[sflag:s18] =	ssyncset.done $0x0  }
0x86: {  	s29 =	simm.s32 @!p0 $0x0;
	s30 =	simm.s32 @!p0 $0x1;
	[sflag:s18] =	ssyncadd.s32 $0xFFFFC000  }
0x87: {  	[tilespmem:s29], [sflag:$0x1] =	stream.linear.gather @!p0 [hbm4b:s9+s29], $0x100, $0x38;
	[tilespmem:$0x1BE00] =	vst v63  }
0x88: {  	_ =	swait.ge @!p0 [sflag:s30], $0x100  }
0x89: {  	[sflag:s30] =	ssyncset.done @!p0 $0x0  }
0x8a: {  	s31 =	simm.s32 @!p0 $0x200;
	[sflag:s30] =	ssyncadd.s32 @!p0 $0xFFFFFF00;
	s30 =	simm.s32 @!p0 $0x80  }
0x8b: {  	[tilespmem:s31], [sflag:$0x3] =	stream.indirect.gather @!p0 [hbm4b:s1+s30], $0x80, s29, s30, $0xb8;
	[tilespmem:$0x1BE00] =	vst v63  }
0x8c: {  	s29 =	simm.s32 @!p0 $0x3  }
0x8d: {  	_ =	swait.ge @!p0 [sflag:s29], $0x4000  }
0x8e: {  	[sflag:s29] =	ssyncset.done @!p0 $0x0  }
0x8f: {  	[sflag:s29] =	ssyncadd.s32 @!p0 $0xFFFFC000;
	s29 =	simm.s32 @!p0 $0x5  }
0x90: {  	[spmem:s3] =	stream.indirect.scatter.add.f32 @!p0 [tilespmem:s31], [sflag:$0x5], $0x80, s30, s30, $0xb8;
	[tilespmem:$0x1BE00] =	vst v63  }
0x91: {  	s28 =	sadd.s32 $0x1, s28;
	_ =	swait.ge @!p0 [sflag:s29], $0x4000  }
0x92: {  	p1 =	sne.s32 s28, s11;
	[sflag:s29] =	ssyncset.done @!p0 $0x0  }
0x93: {  	s30 =	sshll.u32 s0, $0x6;
	s31 =	sshrl.u32 s5, $0x3;
	[sflag:s29] =	ssyncadd.s32 @!p0 $0xFFFFC000  }
.Ltmp2:
0x94: {  	s29 =	sor.u32 $0x1C05, s30;
	[bflag:$0x0] =	sbarrier.arrive $0xFFFF;
	(pc) =	sbr.rel @p1 .LBB2_1-.Ltmp2, $4  }
0x95: {  	[hbm:s10], [sflag:s29] =	dma.local [spmem:s31], $0x2780  }
0x96: {  	_ =	swait.ge [sflag:s18], $0x2780  }
0x97: {  	[sflag:s18] =	ssyncset.done $0x0  }
0x98: {  	[sflag:s18] =	ssyncadd.s32 $0xFFFFD880  }
0x99: {  	_ =	sfence.sel $0x180000  }
0x9a: {  	[bflag:$0x0] =	sbarrier.arrive $0xFFFF  }
0x9b: {  	p0 =	sne.s32 s0, $0x0;
	_ =	strace $0x90000047  }
0x9c: {  	s0 =	sadd.s32 @!p0 $0x100000, s2;
	[bflag:$0x2] =	sbarrier.arrive $0xFFFF  }
0x9d: {  	[sflag:s0] =	ssyncadd.tile.s32 @!p0 $0x1;
	_ =	shalt  }
.Lfunc_end2:
_tile_overlayer_lowered:
.L_overlay_start_2:
0x9e: {  	(tag) =	ssettag $0x2  }
0x9f: {  	s0 =	rddreg [dreg:$0x0];
	s2 =	stileid.u32  }
0xa0: {  	s1 =	rddreg [dreg:$0x1];
	p0 =	sne.s32 s2, $0x0  }
0xa1: {  	s3 =	rddreg [dreg:$0x2];
	[bflag:$0x3] =	sbarrier.arrive $0xFFFF;
	s2 =	simm.s32 @!p0 $0x1C05  }
0xa2: {  	[timem:s3], [sflag:s2] =	dma.local @!p0 [hbm:s0], s1  }
0xa3: {  	s0 =	simm.s32 @!p0 $0x5  }
0xa4: {  	_ =	swait.ge @!p0 [sflag:s0], s1  }
0xa5: {  	s1 =	ssub.s32 @!p0 $0x0, s1;
	[sflag:s0] =	ssyncset.done @!p0 $0x0  }
0xa6: {  	[sflag:s0] =	ssyncadd.s32 @!p0 s1  }
0xa7: {  	[bflag:$0x3] =	sbarrier.arrive $0xFFFF  }
0xa8: {  	_ =	shalt  }

</sc_bundles>
